<compile_context>
chip_gen: v7x
topology: tpu7x:2x2x1
jax: 0.10.2.dev20260603
libtpu: 0.0.44.dev20260713+nightly
codegen_flags: <defaults>
</compile_context>

<pallas_src>
import functools
import math

import jax
import jax.numpy as jnp
import numpy as np
from jax import lax
from jax.experimental import pallas as pl
from jax.experimental.pallas import tpu as pltpu
from jax.experimental.pallas import tpu_sc as plsc

D_MODEL = 128
MAXLEN = 512
B = 1024
L = 200

BL = B * L
NW = 32
CH = 128
ROWS_PER_W = BL // NW
NCH = ROWS_PER_W // CH
NB = 2
PE_EXT = L + CH
VREGS = D_MODEL // 16


def _sinusoidal_pe(max_len, d_model):
    pe = np.zeros((max_len, d_model), dtype=np.float32)
    position = np.arange(0, max_len, dtype=np.float32)[:, None]
    div_term = np.exp(
        np.arange(0, d_model, 2, dtype=np.float32) * -(math.log(10000.0) / d_model)
    )
    pe[:, 0::2] = np.sin(position * div_term)
    pe[:, 1::2] = np.cos(position * div_term)
    return pe


_PE = _sinusoidal_pe(MAXLEN, D_MODEL)[:L]
_PE_EXT = np.concatenate([_PE, _PE[: PE_EXT - L]], axis=0)


def _make_kernel():
    mesh = plsc.VectorSubcoreMesh(core_axis_name="c", subcore_axis_name="s")

    scratch = [pltpu.VMEM((NCH, 1, CH), jnp.int32),
               pltpu.VMEM((PE_EXT, D_MODEL), jnp.float32)]
    scratch += [pltpu.VMEM((CH, D_MODEL), jnp.float32) for _ in range(2 * NB)]
    scratch += [pltpu.SemaphoreType.DMA for _ in range(2 * NB)]

    @functools.partial(
        pl.kernel,
        mesh=mesh,
        out_type=jax.ShapeDtypeStruct((BL, D_MODEL), jnp.float32),
        scratch_types=scratch,
    )
    def emb_kernel(idx_hbm, table_hbm, pe_hbm, out_hbm, idx_v, pe_v, *bufs):
        gbuf = bufs[0:NB]
        sbuf = bufs[NB:2 * NB]
        gsem = bufs[2 * NB:3 * NB]
        ssem = bufs[3 * NB:4 * NB]

        wid = lax.axis_index("s") * 2 + lax.axis_index("c")
        chunk0 = wid * NCH
        pltpu.sync_copy(idx_hbm.at[pl.ds(chunk0, NCH)], idx_v)
        pltpu.sync_copy(pe_hbm, pe_v)

        def start_gather(b, c):
            pltpu.make_async_copy(
                table_hbm.at[idx_v.at[c, 0]], gbuf[b], gsem[b]).start()

        def wait_gather(b):
            pltpu.make_async_copy(
                table_hbm.at[pl.ds(0, CH)], gbuf[b], gsem[b]).wait()

        def start_store(b, c):
            pltpu.make_async_copy(
                sbuf[b], out_hbm.at[pl.ds((chunk0 + c) * CH, CH)], ssem[b]).start()

        def wait_store(b):
            pltpu.make_async_copy(
                table_hbm.at[pl.ds(0, CH)], sbuf[b], ssem[b]).wait()

        for b in range(NB):
            start_gather(b, b)

        def outer(i, carry):
            for b in range(NB):
                c = i * NB + b
                wait_gather(b)

                @pl.when(c >= NB)
                def _():
                    wait_store(b)

                pe_base = lax.rem((chunk0 + c) * CH, L)

                @plsc.parallel_loop(0, CH, step=1, unroll=8)
                def row_body(r):
                    pos = pe_base + r
                    for j in range(VREGS):
                        sl = pl.ds(j * 16, 16)
                        sbuf[b][r, sl] = gbuf[b][r, sl] + pe_v[pos, sl]

                @pl.when(c + NB < NCH)
                def _():
                    start_gather(b, c + NB)

                start_store(b, c)
            return carry

        lax.fori_loop(0, NCH // NB, outer, 0, unroll=False)
        for b in range(NB):
            wait_store(b)

    return emb_kernel


_emb_kernel = _make_kernel()


def kernel(x, token_table):
    idx = x.reshape(BL // CH, 1, CH)
    pe = jnp.asarray(_PE_EXT)
    out = _emb_kernel(idx, token_table, pe)
    return out.reshape(B, L, D_MODEL)

# --- scband reference (transcript-rebuilt; emitter-appended) ---
"""Pipeline reference for scband-embeddings-75634374083082 (READ-ONLY COPY).

The authoritative reference and input builder live on the scoring server;
editing this copy changes nothing except your own understanding.
"""

import jax, jax.numpy as jnp
import numpy as np

D_MODEL = 128
MAXLEN = 512
VOCAB = 1000000
PAD_ID = 0
B = 1024
L = 200


def _sinusoidal_pe(max_len, d_model):
    # BERT-style fixed sinusoidal positional embedding, shape [1, max_len, d_model]
    pe = np.zeros((max_len, d_model), dtype=np.float32)
    position = np.arange(0, max_len, dtype=np.float32)[:, None]
    div_term = np.exp(np.arange(0, d_model, 2, dtype=np.float32) * -(np.log(10000.0) / d_model))
    pe[:, 0::2] = np.sin(position * div_term)
    pe[:, 1::2] = np.cos(position * div_term)
    return jnp.asarray(pe[None, :, :])


def setup_inputs(seed: int = 0) -> dict:
    key = jax.random.key(seed)
    k1, k2 = jax.random.split(key)
    x = jax.random.randint(k1, (B, L), 0, VOCAB, dtype=jnp.int32)
    # nn.Embedding default init: N(0, 1); padding row zeroed
    token_table = jax.random.normal(k2, (VOCAB, D_MODEL), dtype=jnp.float32)
    token_table = token_table.at[PAD_ID].set(0.0)
    return {"x": x, "token_table": token_table}


def reference(x, token_table):
    # token embedding lookup (is_word=True path)
    tok = jnp.take(token_table, x, axis=0)  # [B, L, D]
    # fixed positional embedding, sliced to seq_len
    pe = _sinusoidal_pe(MAXLEN, D_MODEL)[:, : x.shape[1], :]  # [1, L, D]
    return tok + pe

if __name__ == "__main__":
    import jax
    _d = setup_inputs()
    print(jax.jit(kernel)(*tuple(_d.values())))

</pallas_src>

<mosaic_0001>
#map = affine_map<(d0, d1) -> (0, 0, 0)>
#map1 = affine_map<(d0, d1) -> (0, 0)>
module attributes {stable_mosaic.version = 14 : i64} {
  func.func @emb_kernel(%arg0: i32, %arg1: i32, %arg2: memref<1600x1x128xi32, #tpu.memory_space<hbm>>, %arg3: memref<1000000x128xf32, #tpu.memory_space<hbm>>, %arg4: memref<328x128xf32, #tpu.memory_space<hbm>>, %arg5: memref<204800x128xf32, #tpu.memory_space<hbm>>, %arg6: memref<50x1x128xi32, #tpu.memory_space<vmem>>, %arg7: memref<328x128xf32, #tpu.memory_space<vmem>>, %arg8: memref<128x128xf32, #tpu.memory_space<vmem>>, %arg9: memref<128x128xf32, #tpu.memory_space<vmem>>, %arg10: memref<128x128xf32, #tpu.memory_space<vmem>>, %arg11: memref<128x128xf32, #tpu.memory_space<vmem>>, %arg12: memref<!tpu.dma_semaphore, #tpu.memory_space<semaphore_mem>>, %arg13: memref<!tpu.dma_semaphore, #tpu.memory_space<semaphore_mem>>, %arg14: memref<!tpu.dma_semaphore, #tpu.memory_space<semaphore_mem>>, %arg15: memref<!tpu.dma_semaphore, #tpu.memory_space<semaphore_mem>>) attributes {dimension_semantics = [#tpu.dimension_semantics<core_parallel>, #tpu.dimension_semantics<subcore_parallel>], iteration_bounds = array<i64: 2, 16>, scalar_prefetch = 0 : i64, scratch_operands = 10 : i64, tpu.core_type = #tpu.core_type<sc_vector_subcore>, window_params = [{transform_indices = #map}, {transform_indices = #map1}, {transform_indices = #map1}, {transform_indices = #map1}]} {
    %mul3A = arith.constant 2 : i32
    %mul3A_0 = arith.muli %arg1, %mul3A : i32
    %add3A = arith.addi %mul3A_0, %arg0 : i32
    %mul3A_1 = arith.constant 50 : i32
    %mul3A_2 = arith.muli %add3A, %mul3A_1 : i32
    "tpu.region"() ({
      %run_scoped3A = tpu.sem_alloc : memref<!tpu.dma_semaphore, #tpu.memory_space<semaphore_mem>>
      %dma_start3A_34 = arith.constant 0 : i32
      %dma_start3A_35 = arith.constant 0 : i32
      %dma_start3A_36 = tpu.memref_slice %arg2[%mul3A_2, %dma_start3A_34, %dma_start3A_35] : memref<1600x1x128xi32, #tpu.memory_space<hbm>> -> memref<50x1x128xi32, #tpu.memory_space<hbm>>
      %dma_start3A_37 = arith.constant 0 : i32
      %dma_start3A_38 = arith.constant 0 : i32
      %dma_start3A_39 = tpu.memref_slice %arg2[%mul3A_2, %dma_start3A_37, %dma_start3A_38] : memref<1600x1x128xi32, #tpu.memory_space<hbm>> -> memref<50x1x128xi32, #tpu.memory_space<hbm>>
      tpu.enqueue_dma source(%dma_start3A_39 : memref<50x1x128xi32, #tpu.memory_space<hbm>>) target(%arg6 : memref<50x1x128xi32, #tpu.memory_space<vmem>>) target_semaphore(%run_scoped3A : memref<!tpu.dma_semaphore, #tpu.memory_space<semaphore_mem>>)
      %dma_wait3A_40 = arith.constant 0 : i32
      %dma_wait3A_41 = arith.constant 0 : i32
      %dma_wait3A_42 = tpu.memref_slice %arg2[%mul3A_2, %dma_wait3A_40, %dma_wait3A_41] : memref<1600x1x128xi32, #tpu.memory_space<hbm>> -> memref<50x1x128xi32, #tpu.memory_space<hbm>>
      %dma_wait3A_43 = arith.constant 0 : i32
      %dma_wait3A_44 = arith.constant 0 : i32
      %dma_wait3A_45 = tpu.memref_slice %arg2[%mul3A_2, %dma_wait3A_43, %dma_wait3A_44] : memref<1600x1x128xi32, #tpu.memory_space<hbm>> -> memref<50x1x128xi32, #tpu.memory_space<hbm>>
      tpu.wait_dma2 semaphore(%run_scoped3A : memref<!tpu.dma_semaphore, #tpu.memory_space<semaphore_mem>>) src(%dma_wait3A_45 : memref<50x1x128xi32, #tpu.memory_space<hbm>>) dst(%arg6 : memref<50x1x128xi32, #tpu.memory_space<vmem>>)
      tpu.yield
    }) : () -> ()
    "tpu.region"() ({
      %run_scoped3A = tpu.sem_alloc : memref<!tpu.dma_semaphore, #tpu.memory_space<semaphore_mem>>
      tpu.enqueue_dma source(%arg4 : memref<328x128xf32, #tpu.memory_space<hbm>>) target(%arg7 : memref<328x128xf32, #tpu.memory_space<vmem>>) target_semaphore(%run_scoped3A : memref<!tpu.dma_semaphore, #tpu.memory_space<semaphore_mem>>)
      tpu.wait_dma2 semaphore(%run_scoped3A : memref<!tpu.dma_semaphore, #tpu.memory_space<semaphore_mem>>) src(%arg4 : memref<328x128xf32, #tpu.memory_space<hbm>>) dst(%arg7 : memref<328x128xf32, #tpu.memory_space<vmem>>)
      tpu.yield
    }) : () -> ()
    %dma_start3A = arith.constant 0 : i32
    %dma_start3A_3 = arith.constant 0 : i32
    %dma_start3A_4 = arith.constant 0 : i32
    %dma_start3A_5 = tpu.memref_slice %arg6[%dma_start3A, %dma_start3A_3, %dma_start3A_4] : memref<50x1x128xi32, #tpu.memory_space<vmem>> -> memref<1x1x128xi32, #tpu.memory_space<vmem>>
    %dma_start3A_6 = tpu.memref_squeeze %dma_start3A_5 : memref<1x1x128xi32, #tpu.memory_space<vmem>> -> memref<128xi32, #tpu.memory_space<vmem>>
    %dma_start3A_7 = arith.constant 0 : i32
    %dma_start3A_8 = arith.constant 0 : i32
    %dma_start3A_9 = tpu.memref_slice %arg3[%dma_start3A_7, %dma_start3A_8] : memref<1000000x128xf32, #tpu.memory_space<hbm>> -> memref<1000000x128xf32, #tpu.memory_space<hbm>>
    tpu.enqueue_indirect_dma source(%dma_start3A_9 : memref<1000000x128xf32, #tpu.memory_space<hbm>>) target(%arg8 : memref<128x128xf32, #tpu.memory_space<vmem>>) offsets(%dma_start3A_6 : memref<128xi32, #tpu.memory_space<vmem>>) semaphore(%arg12 : memref<!tpu.dma_semaphore, #tpu.memory_space<semaphore_mem>>)
    %dma_start3A_10 = arith.constant 1 : i32
    %dma_start3A_11 = arith.constant 0 : i32
    %dma_start3A_12 = arith.constant 0 : i32
    %dma_start3A_13 = tpu.memref_slice %arg6[%dma_start3A_10, %dma_start3A_11, %dma_start3A_12] : memref<50x1x128xi32, #tpu.memory_space<vmem>> -> memref<1x1x128xi32, #tpu.memory_space<vmem>>
    %dma_start3A_14 = tpu.memref_squeeze %dma_start3A_13 : memref<1x1x128xi32, #tpu.memory_space<vmem>> -> memref<128xi32, #tpu.memory_space<vmem>>
    %dma_start3A_15 = arith.constant 0 : i32
    %dma_start3A_16 = arith.constant 0 : i32
    %dma_start3A_17 = tpu.memref_slice %arg3[%dma_start3A_15, %dma_start3A_16] : memref<1000000x128xf32, #tpu.memory_space<hbm>> -> memref<1000000x128xf32, #tpu.memory_space<hbm>>
    tpu.enqueue_indirect_dma source(%dma_start3A_17 : memref<1000000x128xf32, #tpu.memory_space<hbm>>) target(%arg9 : memref<128x128xf32, #tpu.memory_space<vmem>>) offsets(%dma_start3A_14 : memref<128xi32, #tpu.memory_space<vmem>>) semaphore(%arg13 : memref<!tpu.dma_semaphore, #tpu.memory_space<semaphore_mem>>)
    %scan3A = arith.constant 0 : i32
    %scan3A_18 = arith.constant 0 : i32
    %scan3A_19 = arith.constant 25 : i32
    %scan3A_20 = arith.addi %scan3A_18, %scan3A_19 : i32
    %scan3A_21 = arith.constant 1 : i32
    scf.for %scan3A_34 = %scan3A_18 to %scan3A_20 step %scan3A_21  : i32 {
      %mul3A_35 = arith.constant 2 : i32
      %mul3A_36 = arith.muli %scan3A_34, %mul3A_35 : i32
      %add3A_37 = arith.constant 0 : i32
      %add3A_38 = arith.addi %mul3A_36, %add3A_37 : i32
      %dma_wait3A_39 = arith.constant 0 : i32
      %dma_wait3A_40 = arith.constant 0 : i32
      %dma_wait3A_41 = tpu.memref_slice %arg3[%dma_wait3A_39, %dma_wait3A_40] : memref<1000000x128xf32, #tpu.memory_space<hbm>> -> memref<128x128xf32, #tpu.memory_space<hbm>>
      %dma_wait3A_42 = arith.constant 0 : i32
      %dma_wait3A_43 = arith.constant 0 : i32
      %dma_wait3A_44 = tpu.memref_slice %arg3[%dma_wait3A_42, %dma_wait3A_43] : memref<1000000x128xf32, #tpu.memory_space<hbm>> -> memref<128x128xf32, #tpu.memory_space<hbm>>
      tpu.wait_dma2 semaphore(%arg12 : memref<!tpu.dma_semaphore, #tpu.memory_space<semaphore_mem>>) src(%dma_wait3A_44 : memref<128x128xf32, #tpu.memory_space<hbm>>) dst(%arg8 : memref<128x128xf32, #tpu.memory_space<vmem>>)
      %ge3A = arith.constant 2 : i32
      %ge3A_45 = arith.cmpi sge, %add3A_38, %ge3A : i32
      %convert_element_type3A = arith.extui %ge3A_45 : i1 to i32
      %cond3A = arith.constant 0 : i32
      %cond3A_46 = arith.cmpi ne, %convert_element_type3A, %cond3A : i32
      scf.if %cond3A_46 {
        %dma_wait3A_103 = arith.constant 0 : i32
        %dma_wait3A_104 = arith.constant 0 : i32
        %dma_wait3A_105 = tpu.memref_slice %arg3[%dma_wait3A_103, %dma_wait3A_104] : memref<1000000x128xf32, #tpu.memory_space<hbm>> -> memref<128x128xf32, #tpu.memory_space<hbm>>
        %dma_wait3A_106 = arith.constant 0 : i32
        %dma_wait3A_107 = arith.constant 0 : i32
        %dma_wait3A_108 = tpu.memref_slice %arg3[%dma_wait3A_106, %dma_wait3A_107] : memref<1000000x128xf32, #tpu.memory_space<hbm>> -> memref<128x128xf32, #tpu.memory_space<hbm>>
        tpu.wait_dma2 semaphore(%arg14 : memref<!tpu.dma_semaphore, #tpu.memory_space<semaphore_mem>>) src(%dma_wait3A_108 : memref<128x128xf32, #tpu.memory_space<hbm>>) dst(%arg10 : memref<128x128xf32, #tpu.memory_space<vmem>>)
      } else {
      }
      %add3A_47 = arith.addi %mul3A_2, %add3A_38 : i32
      %mul3A_48 = arith.constant 128 : i32
      %mul3A_49 = arith.muli %add3A_47, %mul3A_48 : i32
      %rem3A = arith.constant 200 : i32
      %rem3A_50 = arith.remsi %mul3A_49, %rem3A : i32
      %parallel_loop3A = arith.constant 0 : i32
      %parallel_loop3A_51 = arith.constant 128 : i32
      %parallel_loop3A_52 = arith.constant 1 : i32
      scf.for %parallel_loop3A_103 = %parallel_loop3A to %parallel_loop3A_51 step %parallel_loop3A_52  : i32 {
        %parallel_loop3A_104 = arith.addi %rem3A_50, %parallel_loop3A_103 : i32
        %parallel_loop3A_105 = arith.index_cast %parallel_loop3A_103 : i32 to index
        %parallel_loop3A_106 = arith.constant 0 : index
        %parallel_loop3A_107 = tpu.vector_load %arg8[%parallel_loop3A_105, %parallel_loop3A_106] {strides = array<i32>} : memref<128x128xf32, #tpu.memory_space<vmem>>, vector<1x16xf32>,
        %parallel_loop3A_108 = vector.shape_cast %parallel_loop3A_107 : vector<1x16xf32> to vector<16xf32>
        %parallel_loop3A_109 = arith.index_cast %parallel_loop3A_104 : i32 to index
        %parallel_loop3A_110 = arith.constant 0 : index
        %parallel_loop3A_111 = tpu.vector_load %arg7[%parallel_loop3A_109, %parallel_loop3A_110] {strides = array<i32>} : memref<328x128xf32, #tpu.memory_space<vmem>>, vector<1x16xf32>,
        %parallel_loop3A_112 = vector.shape_cast %parallel_loop3A_111 : vector<1x16xf32> to vector<16xf32>
        %parallel_loop3A_113 = arith.addf %parallel_loop3A_108, %parallel_loop3A_112 : vector<16xf32>
        %parallel_loop3A_114 = arith.index_cast %parallel_loop3A_103 : i32 to index
        %parallel_loop3A_115 = arith.constant 0 : index
        %parallel_loop3A_116 = tpu.vector_load %arg10[%parallel_loop3A_114, %parallel_loop3A_115] {strides = array<i32>} : memref<128x128xf32, #tpu.memory_space<vmem>>, vector<1x16xf32>,
        %parallel_loop3A_117 = vector.shape_cast %parallel_loop3A_116 : vector<1x16xf32> to vector<16xf32>
        %parallel_loop3A_118 = vector.shape_cast %parallel_loop3A_113 : vector<16xf32> to vector<1x16xf32>
        tpu.vector_store %arg10[%parallel_loop3A_114, %parallel_loop3A_115], %parallel_loop3A_118 {strides = array<i32>} : memref<128x128xf32, #tpu.memory_space<vmem>>, vector<1x16xf32>,
        %parallel_loop3A_119 = arith.index_cast %parallel_loop3A_103 : i32 to index
        %parallel_loop3A_120 = arith.constant 16 : index
        %parallel_loop3A_121 = tpu.vector_load %arg8[%parallel_loop3A_119, %parallel_loop3A_120] {strides = array<i32>} : memref<128x128xf32, #tpu.memory_space<vmem>>, vector<1x16xf32>,
        %parallel_loop3A_122 = vector.shape_cast %parallel_loop3A_121 : vector<1x16xf32> to vector<16xf32>
        %parallel_loop3A_123 = arith.index_cast %parallel_loop3A_104 : i32 to index
        %parallel_loop3A_124 = arith.constant 16 : index
        %parallel_loop3A_125 = tpu.vector_load %arg7[%parallel_loop3A_123, %parallel_loop3A_124] {strides = array<i32>} : memref<328x128xf32, #tpu.memory_space<vmem>>, vector<1x16xf32>,
        %parallel_loop3A_126 = vector.shape_cast %parallel_loop3A_125 : vector<1x16xf32> to vector<16xf32>
        %parallel_loop3A_127 = arith.addf %parallel_loop3A_122, %parallel_loop3A_126 : vector<16xf32>
        %parallel_loop3A_128 = arith.index_cast %parallel_loop3A_103 : i32 to index
        %parallel_loop3A_129 = arith.constant 16 : index
        %parallel_loop3A_130 = tpu.vector_load %arg10[%parallel_loop3A_128, %parallel_loop3A_129] {strides = array<i32>} : memref<128x128xf32, #tpu.memory_space<vmem>>, vector<1x16xf32>,
        %parallel_loop3A_131 = vector.shape_cast %parallel_loop3A_130 : vector<1x16xf32> to vector<16xf32>
        %parallel_loop3A_132 = vector.shape_cast %parallel_loop3A_127 : vector<16xf32> to vector<1x16xf32>
        tpu.vector_store %arg10[%parallel_loop3A_128, %parallel_loop3A_129], %parallel_loop3A_132 {strides = array<i32>} : memref<128x128xf32, #tpu.memory_space<vmem>>, vector<1x16xf32>,
        %parallel_loop3A_133 = arith.index_cast %parallel_loop3A_103 : i32 to index
        %parallel_loop3A_134 = arith.constant 32 : index
        %parallel_loop3A_135 = tpu.vector_load %arg8[%parallel_loop3A_133, %parallel_loop3A_134] {strides = array<i32>} : memref<128x128xf32, #tpu.memory_space<vmem>>, vector<1x16xf32>,
        %parallel_loop3A_136 = vector.shape_cast %parallel_loop3A_135 : vector<1x16xf32> to vector<16xf32>
        %parallel_loop3A_137 = arith.index_cast %parallel_loop3A_104 : i32 to index
        %parallel_loop3A_138 = arith.constant 32 : index
        %parallel_loop3A_139 = tpu.vector_load %arg7[%parallel_loop3A_137, %parallel_loop3A_138] {strides = array<i32>} : memref<328x128xf32, #tpu.memory_space<vmem>>, vector<1x16xf32>,
        %parallel_loop3A_140 = vector.shape_cast %parallel_loop3A_139 : vector<1x16xf32> to vector<16xf32>
        %parallel_loop3A_141 = arith.addf %parallel_loop3A_136, %parallel_loop3A_140 : vector<16xf32>
        %parallel_loop3A_142 = arith.index_cast %parallel_loop3A_103 : i32 to index
        %parallel_loop3A_143 = arith.constant 32 : index
        %parallel_loop3A_144 = tpu.vector_load %arg10[%parallel_loop3A_142, %parallel_loop3A_143] {strides = array<i32>} : memref<128x128xf32, #tpu.memory_space<vmem>>, vector<1x16xf32>,
        %parallel_loop3A_145 = vector.shape_cast %parallel_loop3A_144 : vector<1x16xf32> to vector<16xf32>
        %parallel_loop3A_146 = vector.shape_cast %parallel_loop3A_141 : vector<16xf32> to vector<1x16xf32>
        tpu.vector_store %arg10[%parallel_loop3A_142, %parallel_loop3A_143], %parallel_loop3A_146 {strides = array<i32>} : memref<128x128xf32, #tpu.memory_space<vmem>>, vector<1x16xf32>,
        %parallel_loop3A_147 = arith.index_cast %parallel_loop3A_103 : i32 to index
        %parallel_loop3A_148 = arith.constant 48 : index
        %parallel_loop3A_149 = tpu.vector_load %arg8[%parallel_loop3A_147, %parallel_loop3A_148] {strides = array<i32>} : memref<128x128xf32, #tpu.memory_space<vmem>>, vector<1x16xf32>,
        %parallel_loop3A_150 = vector.shape_cast %parallel_loop3A_149 : vector<1x16xf32> to vector<16xf32>
        %parallel_loop3A_151 = arith.index_cast %parallel_loop3A_104 : i32 to index
        %parallel_loop3A_152 = arith.constant 48 : index
        %parallel_loop3A_153 = tpu.vector_load %arg7[%parallel_loop3A_151, %parallel_loop3A_152] {strides = array<i32>} : memref<328x128xf32, #tpu.memory_space<vmem>>, vector<1x16xf32>,
        %parallel_loop3A_154 = vector.shape_cast %parallel_loop3A_153 : vector<1x16xf32> to vector<16xf32>
        %parallel_loop3A_155 = arith.addf %parallel_loop3A_150, %parallel_loop3A_154 : vector<16xf32>
        %parallel_loop3A_156 = arith.index_cast %parallel_loop3A_103 : i32 to index
        %parallel_loop3A_157 = arith.constant 48 : index
        %parallel_loop3A_158 = tpu.vector_load %arg10[%parallel_loop3A_156, %parallel_loop3A_157] {strides = array<i32>} : memref<128x128xf32, #tpu.memory_space<vmem>>, vector<1x16xf32>,
        %parallel_loop3A_159 = vector.shape_cast %parallel_loop3A_158 : vector<1x16xf32> to vector<16xf32>
        %parallel_loop3A_160 = vector.shape_cast %parallel_loop3A_155 : vector<16xf32> to vector<1x16xf32>
        tpu.vector_store %arg10[%parallel_loop3A_156, %parallel_loop3A_157], %parallel_loop3A_160 {strides = array<i32>} : memref<128x128xf32, #tpu.memory_space<vmem>>, vector<1x16xf32>,
        %parallel_loop3A_161 = arith.index_cast %parallel_loop3A_103 : i32 to index
        %parallel_loop3A_162 = arith.constant 64 : index
        %parallel_loop3A_163 = tpu.vector_load %arg8[%parallel_loop3A_161, %parallel_loop3A_162] {strides = array<i32>} : memref<128x128xf32, #tpu.memory_space<vmem>>, vector<1x16xf32>,
        %parallel_loop3A_164 = vector.shape_cast %parallel_loop3A_163 : vector<1x16xf32> to vector<16xf32>
        %parallel_loop3A_165 = arith.index_cast %parallel_loop3A_104 : i32 to index
        %parallel_loop3A_166 = arith.constant 64 : index
        %parallel_loop3A_167 = tpu.vector_load %arg7[%parallel_loop3A_165, %parallel_loop3A_166] {strides = array<i32>} : memref<328x128xf32, #tpu.memory_space<vmem>>, vector<1x16xf32>,
        %parallel_loop3A_168 = vector.shape_cast %parallel_loop3A_167 : vector<1x16xf32> to vector<16xf32>
        %parallel_loop3A_169 = arith.addf %parallel_loop3A_164, %parallel_loop3A_168 : vector<16xf32>
        %parallel_loop3A_170 = arith.index_cast %parallel_loop3A_103 : i32 to index
        %parallel_loop3A_171 = arith.constant 64 : index
        %parallel_loop3A_172 = tpu.vector_load %arg10[%parallel_loop3A_170, %parallel_loop3A_171] {strides = array<i32>} : memref<128x128xf32, #tpu.memory_space<vmem>>, vector<1x16xf32>,
        %parallel_loop3A_173 = vector.shape_cast %parallel_loop3A_172 : vector<1x16xf32> to vector<16xf32>
        %parallel_loop3A_174 = vector.shape_cast %parallel_loop3A_169 : vector<16xf32> to vector<1x16xf32>
        tpu.vector_store %arg10[%parallel_loop3A_170, %parallel_loop3A_171], %parallel_loop3A_174 {strides = array<i32>} : memref<128x128xf32, #tpu.memory_space<vmem>>, vector<1x16xf32>,
        %parallel_loop3A_175 = arith.index_cast %parallel_loop3A_103 : i32 to index
        %parallel_loop3A_176 = arith.constant 80 : index
        %parallel_loop3A_177 = tpu.vector_load %arg8[%parallel_loop3A_175, %parallel_loop3A_176] {strides = array<i32>} : memref<128x128xf32, #tpu.memory_space<vmem>>, vector<1x16xf32>,
        %parallel_loop3A_178 = vector.shape_cast %parallel_loop3A_177 : vector<1x16xf32> to vector<16xf32>
        %parallel_loop3A_179 = arith.index_cast %parallel_loop3A_104 : i32 to index
        %parallel_loop3A_180 = arith.constant 80 : index
        %parallel_loop3A_181 = tpu.vector_load %arg7[%parallel_loop3A_179, %parallel_loop3A_180] {strides = array<i32>} : memref<328x128xf32, #tpu.memory_space<vmem>>, vector<1x16xf32>,
        %parallel_loop3A_182 = vector.shape_cast %parallel_loop3A_181 : vector<1x16xf32> to vector<16xf32>
        %parallel_loop3A_183 = arith.addf %parallel_loop3A_178, %parallel_loop3A_182 : vector<16xf32>
        %parallel_loop3A_184 = arith.index_cast %parallel_loop3A_103 : i32 to index
        %parallel_loop3A_185 = arith.constant 80 : index
        %parallel_loop3A_186 = tpu.vector_load %arg10[%parallel_loop3A_184, %parallel_loop3A_185] {strides = array<i32>} : memref<128x128xf32, #tpu.memory_space<vmem>>, vector<1x16xf32>,
        %parallel_loop3A_187 = vector.shape_cast %parallel_loop3A_186 : vector<1x16xf32> to vector<16xf32>
        %parallel_loop3A_188 = vector.shape_cast %parallel_loop3A_183 : vector<16xf32> to vector<1x16xf32>
        tpu.vector_store %arg10[%parallel_loop3A_184, %parallel_loop3A_185], %parallel_loop3A_188 {strides = array<i32>} : memref<128x128xf32, #tpu.memory_space<vmem>>, vector<1x16xf32>,
        %parallel_loop3A_189 = arith.index_cast %parallel_loop3A_103 : i32 to index
        %parallel_loop3A_190 = arith.constant 96 : index
        %parallel_loop3A_191 = tpu.vector_load %arg8[%parallel_loop3A_189, %parallel_loop3A_190] {strides = array<i32>} : memref<128x128xf32, #tpu.memory_space<vmem>>, vector<1x16xf32>,
        %parallel_loop3A_192 = vector.shape_cast %parallel_loop3A_191 : vector<1x16xf32> to vector<16xf32>
        %parallel_loop3A_193 = arith.index_cast %parallel_loop3A_104 : i32 to index
        %parallel_loop3A_194 = arith.constant 96 : index
        %parallel_loop3A_195 = tpu.vector_load %arg7[%parallel_loop3A_193, %parallel_loop3A_194] {strides = array<i32>} : memref<328x128xf32, #tpu.memory_space<vmem>>, vector<1x16xf32>,
        %parallel_loop3A_196 = vector.shape_cast %parallel_loop3A_195 : vector<1x16xf32> to vector<16xf32>
        %parallel_loop3A_197 = arith.addf %parallel_loop3A_192, %parallel_loop3A_196 : vector<16xf32>
        %parallel_loop3A_198 = arith.index_cast %parallel_loop3A_103 : i32 to index
        %parallel_loop3A_199 = arith.constant 96 : index
        %parallel_loop3A_200 = tpu.vector_load %arg10[%parallel_loop3A_198, %parallel_loop3A_199] {strides = array<i32>} : memref<128x128xf32, #tpu.memory_space<vmem>>, vector<1x16xf32>,
        %parallel_loop3A_201 = vector.shape_cast %parallel_loop3A_200 : vector<1x16xf32> to vector<16xf32>
        %parallel_loop3A_202 = vector.shape_cast %parallel_loop3A_197 : vector<16xf32> to vector<1x16xf32>
        tpu.vector_store %arg10[%parallel_loop3A_198, %parallel_loop3A_199], %parallel_loop3A_202 {strides = array<i32>} : memref<128x128xf32, #tpu.memory_space<vmem>>, vector<1x16xf32>,
        %parallel_loop3A_203 = arith.index_cast %parallel_loop3A_103 : i32 to index
        %parallel_loop3A_204 = arith.constant 112 : index
        %parallel_loop3A_205 = tpu.vector_load %arg8[%parallel_loop3A_203, %parallel_loop3A_204] {strides = array<i32>} : memref<128x128xf32, #tpu.memory_space<vmem>>, vector<1x16xf32>,
        %parallel_loop3A_206 = vector.shape_cast %parallel_loop3A_205 : vector<1x16xf32> to vector<16xf32>
        %parallel_loop3A_207 = arith.index_cast %parallel_loop3A_104 : i32 to index
        %parallel_loop3A_208 = arith.constant 112 : index
        %parallel_loop3A_209 = tpu.vector_load %arg7[%parallel_loop3A_207, %parallel_loop3A_208] {strides = array<i32>} : memref<328x128xf32, #tpu.memory_space<vmem>>, vector<1x16xf32>,
        %parallel_loop3A_210 = vector.shape_cast %parallel_loop3A_209 : vector<1x16xf32> to vector<16xf32>
        %parallel_loop3A_211 = arith.addf %parallel_loop3A_206, %parallel_loop3A_210 : vector<16xf32>
        %parallel_loop3A_212 = arith.index_cast %parallel_loop3A_103 : i32 to index
        %parallel_loop3A_213 = arith.constant 112 : index
        %parallel_loop3A_214 = tpu.vector_load %arg10[%parallel_loop3A_212, %parallel_loop3A_213] {strides = array<i32>} : memref<128x128xf32, #tpu.memory_space<vmem>>, vector<1x16xf32>,
        %parallel_loop3A_215 = vector.shape_cast %parallel_loop3A_214 : vector<1x16xf32> to vector<16xf32>
        %parallel_loop3A_216 = vector.shape_cast %parallel_loop3A_211 : vector<16xf32> to vector<1x16xf32>
        tpu.vector_store %arg10[%parallel_loop3A_212, %parallel_loop3A_213], %parallel_loop3A_216 {strides = array<i32>} : memref<128x128xf32, #tpu.memory_space<vmem>>, vector<1x16xf32>,
      } {sc.loop_unroll_factor = 8 : i64, sc.parallel_access}
      %add3A_53 = arith.constant 2 : i32
      %add3A_54 = arith.addi %add3A_38, %add3A_53 : i32
      %lt3A = arith.constant 50 : i32
      %lt3A_55 = arith.cmpi slt, %add3A_54, %lt3A : i32
      %convert_element_type3A_56 = arith.extui %lt3A_55 : i1 to i32
      %cond3A_57 = arith.constant 0 : i32
      %cond3A_58 = arith.cmpi ne, %convert_element_type3A_56, %cond3A_57 : i32
      scf.if %cond3A_58 {
        %add3A_103 = arith.constant 2 : i32
        %add3A_104 = arith.addi %add3A_38, %add3A_103 : i32
        %dma_start3A_105 = arith.constant 0 : i32
        %dma_start3A_106 = arith.constant 0 : i32
        %dma_start3A_107 = tpu.memref_slice %arg6[%add3A_104, %dma_start3A_105, %dma_start3A_106] : memref<50x1x128xi32, #tpu.memory_space<vmem>> -> memref<1x1x128xi32, #tpu.memory_space<vmem>>
        %dma_start3A_108 = tpu.memref_squeeze %dma_start3A_107 : memref<1x1x128xi32, #tpu.memory_space<vmem>> -> memref<128xi32, #tpu.memory_space<vmem>>
        %dma_start3A_109 = arith.constant 0 : i32
        %dma_start3A_110 = arith.constant 0 : i32
        %dma_start3A_111 = tpu.memref_slice %arg3[%dma_start3A_109, %dma_start3A_110] : memref<1000000x128xf32, #tpu.memory_space<hbm>> -> memref<1000000x128xf32, #tpu.memory_space<hbm>>
        tpu.enqueue_indirect_dma source(%dma_start3A_111 : memref<1000000x128xf32, #tpu.memory_space<hbm>>) target(%arg8 : memref<128x128xf32, #tpu.memory_space<vmem>>) offsets(%dma_start3A_108 : memref<128xi32, #tpu.memory_space<vmem>>) semaphore(%arg12 : memref<!tpu.dma_semaphore, #tpu.memory_space<semaphore_mem>>)
      } else {
      }
      %add3A_59 = arith.addi %mul3A_2, %add3A_38 : i32
      %mul3A_60 = arith.constant 128 : i32
      %mul3A_61 = arith.muli %add3A_59, %mul3A_60 : i32
      %dma_start3A_62 = arith.constant 0 : i32
      %dma_start3A_63 = tpu.memref_slice %arg5[%mul3A_61, %dma_start3A_62] : memref<204800x128xf32, #tpu.memory_space<hbm>> -> memref<128x128xf32, #tpu.memory_space<hbm>>
      %dma_start3A_64 = arith.constant 0 : i32
      %dma_start3A_65 = tpu.memref_slice %arg5[%mul3A_61, %dma_start3A_64] : memref<204800x128xf32, #tpu.memory_space<hbm>> -> memref<128x128xf32, #tpu.memory_space<hbm>>
      tpu.enqueue_dma source(%arg10 : memref<128x128xf32, #tpu.memory_space<vmem>>) target(%dma_start3A_65 : memref<128x128xf32, #tpu.memory_space<hbm>>) target_semaphore(%arg14 : memref<!tpu.dma_semaphore, #tpu.memory_space<semaphore_mem>>)
      %mul3A_66 = arith.constant 2 : i32
      %mul3A_67 = arith.muli %scan3A_34, %mul3A_66 : i32
      %add3A_68 = arith.constant 1 : i32
      %add3A_69 = arith.addi %mul3A_67, %add3A_68 : i32
      %dma_wait3A_70 = arith.constant 0 : i32
      %dma_wait3A_71 = arith.constant 0 : i32
      %dma_wait3A_72 = tpu.memref_slice %arg3[%dma_wait3A_70, %dma_wait3A_71] : memref<1000000x128xf32, #tpu.memory_space<hbm>> -> memref<128x128xf32, #tpu.memory_space<hbm>>
      %dma_wait3A_73 = arith.constant 0 : i32
      %dma_wait3A_74 = arith.constant 0 : i32
      %dma_wait3A_75 = tpu.memref_slice %arg3[%dma_wait3A_73, %dma_wait3A_74] : memref<1000000x128xf32, #tpu.memory_space<hbm>> -> memref<128x128xf32, #tpu.memory_space<hbm>>
      tpu.wait_dma2 semaphore(%arg13 : memref<!tpu.dma_semaphore, #tpu.memory_space<semaphore_mem>>) src(%dma_wait3A_75 : memref<128x128xf32, #tpu.memory_space<hbm>>) dst(%arg9 : memref<128x128xf32, #tpu.memory_space<vmem>>)
      %ge3A_76 = arith.constant 2 : i32
      %ge3A_77 = arith.cmpi sge, %add3A_69, %ge3A_76 : i32
      %convert_element_type3A_78 = arith.extui %ge3A_77 : i1 to i32
      %cond3A_79 = arith.constant 0 : i32
      %cond3A_80 = arith.cmpi ne, %convert_element_type3A_78, %cond3A_79 : i32
      scf.if %cond3A_80 {
        %dma_wait3A_103 = arith.constant 0 : i32
        %dma_wait3A_104 = arith.constant 0 : i32
        %dma_wait3A_105 = tpu.memref_slice %arg3[%dma_wait3A_103, %dma_wait3A_104] : memref<1000000x128xf32, #tpu.memory_space<hbm>> -> memref<128x128xf32, #tpu.memory_space<hbm>>
        %dma_wait3A_106 = arith.constant 0 : i32
        %dma_wait3A_107 = arith.constant 0 : i32
        %dma_wait3A_108 = tpu.memref_slice %arg3[%dma_wait3A_106, %dma_wait3A_107] : memref<1000000x128xf32, #tpu.memory_space<hbm>> -> memref<128x128xf32, #tpu.memory_space<hbm>>
        tpu.wait_dma2 semaphore(%arg15 : memref<!tpu.dma_semaphore, #tpu.memory_space<semaphore_mem>>) src(%dma_wait3A_108 : memref<128x128xf32, #tpu.memory_space<hbm>>) dst(%arg11 : memref<128x128xf32, #tpu.memory_space<vmem>>)
      } else {
      }
      %add3A_81 = arith.addi %mul3A_2, %add3A_69 : i32
      %mul3A_82 = arith.constant 128 : i32
      %mul3A_83 = arith.muli %add3A_81, %mul3A_82 : i32
      %rem3A_84 = arith.constant 200 : i32
      %rem3A_85 = arith.remsi %mul3A_83, %rem3A_84 : i32
      %parallel_loop3A_86 = arith.constant 0 : i32
      %parallel_loop3A_87 = arith.constant 128 : i32
      %parallel_loop3A_88 = arith.constant 1 : i32
      scf.for %parallel_loop3A_103 = %parallel_loop3A_86 to %parallel_loop3A_87 step %parallel_loop3A_88  : i32 {
        %parallel_loop3A_104 = arith.addi %rem3A_85, %parallel_loop3A_103 : i32
        %parallel_loop3A_105 = arith.index_cast %parallel_loop3A_103 : i32 to index
        %parallel_loop3A_106 = arith.constant 0 : index
        %parallel_loop3A_107 = tpu.vector_load %arg9[%parallel_loop3A_105, %parallel_loop3A_106] {strides = array<i32>} : memref<128x128xf32, #tpu.memory_space<vmem>>, vector<1x16xf32>,
        %parallel_loop3A_108 = vector.shape_cast %parallel_loop3A_107 : vector<1x16xf32> to vector<16xf32>
        %parallel_loop3A_109 = arith.index_cast %parallel_loop3A_104 : i32 to index
        %parallel_loop3A_110 = arith.constant 0 : index
        %parallel_loop3A_111 = tpu.vector_load %arg7[%parallel_loop3A_109, %parallel_loop3A_110] {strides = array<i32>} : memref<328x128xf32, #tpu.memory_space<vmem>>, vector<1x16xf32>,
        %parallel_loop3A_112 = vector.shape_cast %parallel_loop3A_111 : vector<1x16xf32> to vector<16xf32>
        %parallel_loop3A_113 = arith.addf %parallel_loop3A_108, %parallel_loop3A_112 : vector<16xf32>
        %parallel_loop3A_114 = arith.index_cast %parallel_loop3A_103 : i32 to index
        %parallel_loop3A_115 = arith.constant 0 : index
        %parallel_loop3A_116 = tpu.vector_load %arg11[%parallel_loop3A_114, %parallel_loop3A_115] {strides = array<i32>} : memref<128x128xf32, #tpu.memory_space<vmem>>, vector<1x16xf32>,
        %parallel_loop3A_117 = vector.shape_cast %parallel_loop3A_116 : vector<1x16xf32> to vector<16xf32>
        %parallel_loop3A_118 = vector.shape_cast %parallel_loop3A_113 : vector<16xf32> to vector<1x16xf32>
        tpu.vector_store %arg11[%parallel_loop3A_114, %parallel_loop3A_115], %parallel_loop3A_118 {strides = array<i32>} : memref<128x128xf32, #tpu.memory_space<vmem>>, vector<1x16xf32>,
        %parallel_loop3A_119 = arith.index_cast %parallel_loop3A_103 : i32 to index
        %parallel_loop3A_120 = arith.constant 16 : index
        %parallel_loop3A_121 = tpu.vector_load %arg9[%parallel_loop3A_119, %parallel_loop3A_120] {strides = array<i32>} : memref<128x128xf32, #tpu.memory_space<vmem>>, vector<1x16xf32>,
        %parallel_loop3A_122 = vector.shape_cast %parallel_loop3A_121 : vector<1x16xf32> to vector<16xf32>
        %parallel_loop3A_123 = arith.index_cast %parallel_loop3A_104 : i32 to index
        %parallel_loop3A_124 = arith.constant 16 : index
        %parallel_loop3A_125 = tpu.vector_load %arg7[%parallel_loop3A_123, %parallel_loop3A_124] {strides = array<i32>} : memref<328x128xf32, #tpu.memory_space<vmem>>, vector<1x16xf32>,
        %parallel_loop3A_126 = vector.shape_cast %parallel_loop3A_125 : vector<1x16xf32> to vector<16xf32>
        %parallel_loop3A_127 = arith.addf %parallel_loop3A_122, %parallel_loop3A_126 : vector<16xf32>
        %parallel_loop3A_128 = arith.index_cast %parallel_loop3A_103 : i32 to index
        %parallel_loop3A_129 = arith.constant 16 : index
        %parallel_loop3A_130 = tpu.vector_load %arg11[%parallel_loop3A_128, %parallel_loop3A_129] {strides = array<i32>} : memref<128x128xf32, #tpu.memory_space<vmem>>, vector<1x16xf32>,
        %parallel_loop3A_131 = vector.shape_cast %parallel_loop3A_130 : vector<1x16xf32> to vector<16xf32>
        %parallel_loop3A_132 = vector.shape_cast %parallel_loop3A_127 : vector<16xf32> to vector<1x16xf32>
        tpu.vector_store %arg11[%parallel_loop3A_128, %parallel_loop3A_129], %parallel_loop3A_132 {strides = array<i32>} : memref<128x128xf32, #tpu.memory_space<vmem>>, vector<1x16xf32>,
        %parallel_loop3A_133 = arith.index_cast %parallel_loop3A_103 : i32 to index
        %parallel_loop3A_134 = arith.constant 32 : index
        %parallel_loop3A_135 = tpu.vector_load %arg9[%parallel_loop3A_133, %parallel_loop3A_134] {strides = array<i32>} : memref<128x128xf32, #tpu.memory_space<vmem>>, vector<1x16xf32>,
        %parallel_loop3A_136 = vector.shape_cast %parallel_loop3A_135 : vector<1x16xf32> to vector<16xf32>
        %parallel_loop3A_137 = arith.index_cast %parallel_loop3A_104 : i32 to index
        %parallel_loop3A_138 = arith.constant 32 : index
        %parallel_loop3A_139 = tpu.vector_load %arg7[%parallel_loop3A_137, %parallel_loop3A_138] {strides = array<i32>} : memref<328x128xf32, #tpu.memory_space<vmem>>, vector<1x16xf32>,
        %parallel_loop3A_140 = vector.shape_cast %parallel_loop3A_139 : vector<1x16xf32> to vector<16xf32>
        %parallel_loop3A_141 = arith.addf %parallel_loop3A_136, %parallel_loop3A_140 : vector<16xf32>
        %parallel_loop3A_142 = arith.index_cast %parallel_loop3A_103 : i32 to index
        %parallel_loop3A_143 = arith.constant 32 : index
        %parallel_loop3A_144 = tpu.vector_load %arg11[%parallel_loop3A_142, %parallel_loop3A_143] {strides = array<i32>} : memref<128x128xf32, #tpu.memory_space<vmem>>, vector<1x16xf32>,
        %parallel_loop3A_145 = vector.shape_cast %parallel_loop3A_144 : vector<1x16xf32> to vector<16xf32>
        %parallel_loop3A_146 = vector.shape_cast %parallel_loop3A_141 : vector<16xf32> to vector<1x16xf32>
        tpu.vector_store %arg11[%parallel_loop3A_142, %parallel_loop3A_143], %parallel_loop3A_146 {strides = array<i32>} : memref<128x128xf32, #tpu.memory_space<vmem>>, vector<1x16xf32>,
        %parallel_loop3A_147 = arith.index_cast %parallel_loop3A_103 : i32 to index
        %parallel_loop3A_148 = arith.constant 48 : index
        %parallel_loop3A_149 = tpu.vector_load %arg9[%parallel_loop3A_147, %parallel_loop3A_148] {strides = array<i32>} : memref<128x128xf32, #tpu.memory_space<vmem>>, vector<1x16xf32>,
        %parallel_loop3A_150 = vector.shape_cast %parallel_loop3A_149 : vector<1x16xf32> to vector<16xf32>
        %parallel_loop3A_151 = arith.index_cast %parallel_loop3A_104 : i32 to index
        %parallel_loop3A_152 = arith.constant 48 : index
        %parallel_loop3A_153 = tpu.vector_load %arg7[%parallel_loop3A_151, %parallel_loop3A_152] {strides = array<i32>} : memref<328x128xf32, #tpu.memory_space<vmem>>, vector<1x16xf32>,
        %parallel_loop3A_154 = vector.shape_cast %parallel_loop3A_153 : vector<1x16xf32> to vector<16xf32>
        %parallel_loop3A_155 = arith.addf %parallel_loop3A_150, %parallel_loop3A_154 : vector<16xf32>
        %parallel_loop3A_156 = arith.index_cast %parallel_loop3A_103 : i32 to index
        %parallel_loop3A_157 = arith.constant 48 : index
        %parallel_loop3A_158 = tpu.vector_load %arg11[%parallel_loop3A_156, %parallel_loop3A_157] {strides = array<i32>} : memref<128x128xf32, #tpu.memory_space<vmem>>, vector<1x16xf32>,
        %parallel_loop3A_159 = vector.shape_cast %parallel_loop3A_158 : vector<1x16xf32> to vector<16xf32>
        %parallel_loop3A_160 = vector.shape_cast %parallel_loop3A_155 : vector<16xf32> to vector<1x16xf32>
        tpu.vector_store %arg11[%parallel_loop3A_156, %parallel_loop3A_157], %parallel_loop3A_160 {strides = array<i32>} : memref<128x128xf32, #tpu.memory_space<vmem>>, vector<1x16xf32>,
        %parallel_loop3A_161 = arith.index_cast %parallel_loop3A_103 : i32 to index
        %parallel_loop3A_162 = arith.constant 64 : index
        %parallel_loop3A_163 = tpu.vector_load %arg9[%parallel_loop3A_161, %parallel_loop3A_162] {strides = array<i32>} : memref<128x128xf32, #tpu.memory_space<vmem>>, vector<1x16xf32>,
        %parallel_loop3A_164 = vector.shape_cast %parallel_loop3A_163 : vector<1x16xf32> to vector<16xf32>
        %parallel_loop3A_165 = arith.index_cast %parallel_loop3A_104 : i32 to index
        %parallel_loop3A_166 = arith.constant 64 : index
        %parallel_loop3A_167 = tpu.vector_load %arg7[%parallel_loop3A_165, %parallel_loop3A_166] {strides = array<i32>} : memref<328x128xf32, #tpu.memory_space<vmem>>, vector<1x16xf32>,
        %parallel_loop3A_168 = vector.shape_cast %parallel_loop3A_167 : vector<1x16xf32> to vector<16xf32>
        %parallel_loop3A_169 = arith.addf %parallel_loop3A_164, %parallel_loop3A_168 : vector<16xf32>
        %parallel_loop3A_170 = arith.index_cast %parallel_loop3A_103 : i32 to index
        %parallel_loop3A_171 = arith.constant 64 : index
        %parallel_loop3A_172 = tpu.vector_load %arg11[%parallel_loop3A_170, %parallel_loop3A_171] {strides = array<i32>} : memref<128x128xf32, #tpu.memory_space<vmem>>, vector<1x16xf32>,
        %parallel_loop3A_173 = vector.shape_cast %parallel_loop3A_172 : vector<1x16xf32> to vector<16xf32>
        %parallel_loop3A_174 = vector.shape_cast %parallel_loop3A_169 : vector<16xf32> to vector<1x16xf32>
        tpu.vector_store %arg11[%parallel_loop3A_170, %parallel_loop3A_171], %parallel_loop3A_174 {strides = array<i32>} : memref<128x128xf32, #tpu.memory_space<vmem>>, vector<1x16xf32>,
        %parallel_loop3A_175 = arith.index_cast %parallel_loop3A_103 : i32 to index
        %parallel_loop3A_176 = arith.constant 80 : index
        %parallel_loop3A_177 = tpu.vector_load %arg9[%parallel_loop3A_175, %parallel_loop3A_176] {strides = array<i32>} : memref<128x128xf32, #tpu.memory_space<vmem>>, vector<1x16xf32>,
        %parallel_loop3A_178 = vector.shape_cast %parallel_loop3A_177 : vector<1x16xf32> to vector<16xf32>
        %parallel_loop3A_179 = arith.index_cast %parallel_loop3A_104 : i32 to index
        %parallel_loop3A_180 = arith.constant 80 : index
        %parallel_loop3A_181 = tpu.vector_load %arg7[%parallel_loop3A_179, %parallel_loop3A_180] {strides = array<i32>} : memref<328x128xf32, #tpu.memory_space<vmem>>, vector<1x16xf32>,
        %parallel_loop3A_182 = vector.shape_cast %parallel_loop3A_181 : vector<1x16xf32> to vector<16xf32>
        %parallel_loop3A_183 = arith.addf %parallel_loop3A_178, %parallel_loop3A_182 : vector<16xf32>
        %parallel_loop3A_184 = arith.index_cast %parallel_loop3A_103 : i32 to index
        %parallel_loop3A_185 = arith.constant 80 : index
        %parallel_loop3A_186 = tpu.vector_load %arg11[%parallel_loop3A_184, %parallel_loop3A_185] {strides = array<i32>} : memref<128x128xf32, #tpu.memory_space<vmem>>, vector<1x16xf32>,
        %parallel_loop3A_187 = vector.shape_cast %parallel_loop3A_186 : vector<1x16xf32> to vector<16xf32>
        %parallel_loop3A_188 = vector.shape_cast %parallel_loop3A_183 : vector<16xf32> to vector<1x16xf32>
        tpu.vector_store %arg11[%parallel_loop3A_184, %parallel_loop3A_185], %parallel_loop3A_188 {strides = array<i32>} : memref<128x128xf32, #tpu.memory_space<vmem>>, vector<1x16xf32>,
        %parallel_loop3A_189 = arith.index_cast %parallel_loop3A_103 : i32 to index
        %parallel_loop3A_190 = arith.constant 96 : index
        %parallel_loop3A_191 = tpu.vector_load %arg9[%parallel_loop3A_189, %parallel_loop3A_190] {strides = array<i32>} : memref<128x128xf32, #tpu.memory_space<vmem>>, vector<1x16xf32>,
        %parallel_loop3A_192 = vector.shape_cast %parallel_loop3A_191 : vector<1x16xf32> to vector<16xf32>
        %parallel_loop3A_193 = arith.index_cast %parallel_loop3A_104 : i32 to index
        %parallel_loop3A_194 = arith.constant 96 : index
        %parallel_loop3A_195 = tpu.vector_load %arg7[%parallel_loop3A_193, %parallel_loop3A_194] {strides = array<i32>} : memref<328x128xf32, #tpu.memory_space<vmem>>, vector<1x16xf32>,
        %parallel_loop3A_196 = vector.shape_cast %parallel_loop3A_195 : vector<1x16xf32> to vector<16xf32>
        %parallel_loop3A_197 = arith.addf %parallel_loop3A_192, %parallel_loop3A_196 : vector<16xf32>
        %parallel_loop3A_198 = arith.index_cast %parallel_loop3A_103 : i32 to index
        %parallel_loop3A_199 = arith.constant 96 : index
        %parallel_loop3A_200 = tpu.vector_load %arg11[%parallel_loop3A_198, %parallel_loop3A_199] {strides = array<i32>} : memref<128x128xf32, #tpu.memory_space<vmem>>, vector<1x16xf32>,
        %parallel_loop3A_201 = vector.shape_cast %parallel_loop3A_200 : vector<1x16xf32> to vector<16xf32>
        %parallel_loop3A_202 = vector.shape_cast %parallel_loop3A_197 : vector<16xf32> to vector<1x16xf32>
        tpu.vector_store %arg11[%parallel_loop3A_198, %parallel_loop3A_199], %parallel_loop3A_202 {strides = array<i32>} : memref<128x128xf32, #tpu.memory_space<vmem>>, vector<1x16xf32>,
        %parallel_loop3A_203 = arith.index_cast %parallel_loop3A_103 : i32 to index
        %parallel_loop3A_204 = arith.constant 112 : index
        %parallel_loop3A_205 = tpu.vector_load %arg9[%parallel_loop3A_203, %parallel_loop3A_204] {strides = array<i32>} : memref<128x128xf32, #tpu.memory_space<vmem>>, vector<1x16xf32>,
        %parallel_loop3A_206 = vector.shape_cast %parallel_loop3A_205 : vector<1x16xf32> to vector<16xf32>
        %parallel_loop3A_207 = arith.index_cast %parallel_loop3A_104 : i32 to index
        %parallel_loop3A_208 = arith.constant 112 : index
        %parallel_loop3A_209 = tpu.vector_load %arg7[%parallel_loop3A_207, %parallel_loop3A_208] {strides = array<i32>} : memref<328x128xf32, #tpu.memory_space<vmem>>, vector<1x16xf32>,
        %parallel_loop3A_210 = vector.shape_cast %parallel_loop3A_209 : vector<1x16xf32> to vector<16xf32>
        %parallel_loop3A_211 = arith.addf %parallel_loop3A_206, %parallel_loop3A_210 : vector<16xf32>
        %parallel_loop3A_212 = arith.index_cast %parallel_loop3A_103 : i32 to index
        %parallel_loop3A_213 = arith.constant 112 : index
        %parallel_loop3A_214 = tpu.vector_load %arg11[%parallel_loop3A_212, %parallel_loop3A_213] {strides = array<i32>} : memref<128x128xf32, #tpu.memory_space<vmem>>, vector<1x16xf32>,
        %parallel_loop3A_215 = vector.shape_cast %parallel_loop3A_214 : vector<1x16xf32> to vector<16xf32>
        %parallel_loop3A_216 = vector.shape_cast %parallel_loop3A_211 : vector<16xf32> to vector<1x16xf32>
        tpu.vector_store %arg11[%parallel_loop3A_212, %parallel_loop3A_213], %parallel_loop3A_216 {strides = array<i32>} : memref<128x128xf32, #tpu.memory_space<vmem>>, vector<1x16xf32>,
      } {sc.loop_unroll_factor = 8 : i64, sc.parallel_access}
      %add3A_89 = arith.constant 2 : i32
      %add3A_90 = arith.addi %add3A_69, %add3A_89 : i32
      %lt3A_91 = arith.constant 50 : i32
      %lt3A_92 = arith.cmpi slt, %add3A_90, %lt3A_91 : i32
      %convert_element_type3A_93 = arith.extui %lt3A_92 : i1 to i32
      %cond3A_94 = arith.constant 0 : i32
      %cond3A_95 = arith.cmpi ne, %convert_element_type3A_93, %cond3A_94 : i32
      scf.if %cond3A_95 {
        %add3A_103 = arith.constant 2 : i32
        %add3A_104 = arith.addi %add3A_69, %add3A_103 : i32
        %dma_start3A_105 = arith.constant 0 : i32
        %dma_start3A_106 = arith.constant 0 : i32
        %dma_start3A_107 = tpu.memref_slice %arg6[%add3A_104, %dma_start3A_105, %dma_start3A_106] : memref<50x1x128xi32, #tpu.memory_space<vmem>> -> memref<1x1x128xi32, #tpu.memory_space<vmem>>
        %dma_start3A_108 = tpu.memref_squeeze %dma_start3A_107 : memref<1x1x128xi32, #tpu.memory_space<vmem>> -> memref<128xi32, #tpu.memory_space<vmem>>
        %dma_start3A_109 = arith.constant 0 : i32
        %dma_start3A_110 = arith.constant 0 : i32
        %dma_start3A_111 = tpu.memref_slice %arg3[%dma_start3A_109, %dma_start3A_110] : memref<1000000x128xf32, #tpu.memory_space<hbm>> -> memref<1000000x128xf32, #tpu.memory_space<hbm>>
        tpu.enqueue_indirect_dma source(%dma_start3A_111 : memref<1000000x128xf32, #tpu.memory_space<hbm>>) target(%arg9 : memref<128x128xf32, #tpu.memory_space<vmem>>) offsets(%dma_start3A_108 : memref<128xi32, #tpu.memory_space<vmem>>) semaphore(%arg13 : memref<!tpu.dma_semaphore, #tpu.memory_space<semaphore_mem>>)
      } else {
      }
      %add3A_96 = arith.addi %mul3A_2, %add3A_69 : i32
      %mul3A_97 = arith.constant 128 : i32
      %mul3A_98 = arith.muli %add3A_96, %mul3A_97 : i32
      %dma_start3A_99 = arith.constant 0 : i32
      %dma_start3A_100 = tpu.memref_slice %arg5[%mul3A_98, %dma_start3A_99] : memref<204800x128xf32, #tpu.memory_space<hbm>> -> memref<128x128xf32, #tpu.memory_space<hbm>>
      %dma_start3A_101 = arith.constant 0 : i32
      %dma_start3A_102 = tpu.memref_slice %arg5[%mul3A_98, %dma_start3A_101] : memref<204800x128xf32, #tpu.memory_space<hbm>> -> memref<128x128xf32, #tpu.memory_space<hbm>>
      tpu.enqueue_dma source(%arg11 : memref<128x128xf32, #tpu.memory_space<vmem>>) target(%dma_start3A_102 : memref<128x128xf32, #tpu.memory_space<hbm>>) target_semaphore(%arg15 : memref<!tpu.dma_semaphore, #tpu.memory_space<semaphore_mem>>)
    }
    %scan3A_22 = arith.constant 25 : i32
    %dma_wait3A = arith.constant 0 : i32
    %dma_wait3A_23 = arith.constant 0 : i32
    %dma_wait3A_24 = tpu.memref_slice %arg3[%dma_wait3A, %dma_wait3A_23] : memref<1000000x128xf32, #tpu.memory_space<hbm>> -> memref<128x128xf32, #tpu.memory_space<hbm>>
    %dma_wait3A_25 = arith.constant 0 : i32
    %dma_wait3A_26 = arith.constant 0 : i32
    %dma_wait3A_27 = tpu.memref_slice %arg3[%dma_wait3A_25, %dma_wait3A_26] : memref<1000000x128xf32, #tpu.memory_space<hbm>> -> memref<128x128xf32, #tpu.memory_space<hbm>>
    tpu.wait_dma2 semaphore(%arg14 : memref<!tpu.dma_semaphore, #tpu.memory_space<semaphore_mem>>) src(%dma_wait3A_27 : memref<128x128xf32, #tpu.memory_space<hbm>>) dst(%arg10 : memref<128x128xf32, #tpu.memory_space<vmem>>)
    %dma_wait3A_28 = arith.constant 0 : i32
    %dma_wait3A_29 = arith.constant 0 : i32
    %dma_wait3A_30 = tpu.memref_slice %arg3[%dma_wait3A_28, %dma_wait3A_29] : memref<1000000x128xf32, #tpu.memory_space<hbm>> -> memref<128x128xf32, #tpu.memory_space<hbm>>
    %dma_wait3A_31 = arith.constant 0 : i32
    %dma_wait3A_32 = arith.constant 0 : i32
    %dma_wait3A_33 = tpu.memref_slice %arg3[%dma_wait3A_31, %dma_wait3A_32] : memref<1000000x128xf32, #tpu.memory_space<hbm>> -> memref<128x128xf32, #tpu.memory_space<hbm>>
    tpu.wait_dma2 semaphore(%arg15 : memref<!tpu.dma_semaphore, #tpu.memory_space<semaphore_mem>>) src(%dma_wait3A_33 : memref<128x128xf32, #tpu.memory_space<hbm>>) dst(%arg11 : memref<128x128xf32, #tpu.memory_space<vmem>>)
    return
  }
}

</mosaic_0001>

<sc_bundles>
// kernel: kernel.3.cloned.1.call-start
scs
__scs_entry_jumppad:
0x0: {  	(pc) =	sbr.rel $0x88, $3  }
0x1: {  	(tag) =	ssettag $0x0;
	lr =	simm.s32 $0x1  }
0x2: {  	[smem:$0x3F9F] =	sst lr;
	_ =	strace $0xD0000000  }
0x3: {  	_ = 	snop  }
0x4: {  	_ = 	snop  }
0x5: {  	_ = 	snop  }
0x6: {  	_ = 	snop  }
0x7: {  	_ = 	snop  }
__scs_overlays_trampoline_lowered:
0x8: {  	[smem:$0x3FAE] =	sst s0  }
0x9: {  	[smem:$0x3FAF] =	sst s1  }
0xa: {  	[smem:$0x3FB0] =	sst s2  }
0xb: {  	[smem:$0x3FB1] =	sst s3  }
0xc: {  	[smem:$0x3FB2] =	sst s4  }
0xd: {  	[smem:$0x3FB3] =	sst s5  }
0xe: {  	[smem:$0x3FB4] =	sst s6  }
0xf: {  	[smem:$0x3FB5] =	sst s7  }
0x10: {  	[smem:$0x3FB6] =	sst s8  }
0x11: {  	[smem:$0x3FB7] =	sst s9;
	s0 =	simm.s32 @!p0 $0x0  }
0x12: {  	s1 =	sld [smem:$0x3F9D];
	s0 =	simm.s32 @p0 $0x1  }
0x13: {  	[smem:$0x3FB8] =	sst s0;
	s0 =	simm.s32 @!p1 $0x0  }
0x14: {  	s2 =	sld [smem:$0x3F9C];
	s0 =	simm.s32 @p1 $0x1  }
0x15: {  	[smem:$0x3FB9] =	sst s0;
	s0 =	simm.s32 @!p2 $0x0  }
0x16: {  	s3 =	sld [smem:$0x3FDB];
	s0 =	simm.s32 @p2 $0x1  }
0x17: {  	s4 =	simm.s32 $0x1BF5;
	[smem:$0x3FBB] =	sst s0  }
0x18: {  	s0 =	sld [smem:$0x3F9E];
	_ =	swait.ge [sflag:s4], $0x0  }
0x19: {  	s7 =	sld [smem:$0x3F9F]  }
0x1a: {  	s8 =	sadd.s32 $0xFFFFE003, lr  }
0x1b: {  	s9 =	sadd.s32 $0xFFFFFEF7, lr;
	s5 =	simm.s32 $0xFFFFFFFF;
	p2 =	slt.u32 s8, $0xFFFFF086  }
0x1c: {  	p1 =	slt.u32 s9, $0xF7A;
	s5 =	simm.s32 @!p2 $0x0  }
0x1d: {  	s5 =	simm.s32 @p1 $0x1;
	p0 =	seq.s32 s7, s2  }
0x1e: {  	s7 =	smul.u32 @!p0 $0xF7A, s2;
	p2 =	seq.s32 @!p0 s5, $0x0  }
0x1f: {  	s9 =	smul.u32 $0xF7A, s1;
	s8 =	simm.s32 @!p0 $0x1BF5;
	p2 =	por !p2, p0  }
0x20: {  	[sflag:s8] =	ssyncset.s32 @!p0 $0xFFFFF086;
	s6 =	sadd.s32 @!p0 s3, s7;
	s7 =	simm.s32 @!p0 $0x108  }
0x21: {  	s3 =	sadd.s32 s3, s9;
	s6 =	sadd.s32 @!p0 $0x88, s6;
	s7 =	simm.s32 @p2 $0x1082  }
0x22: {  	[simem:s7], [sflag:s8] =	dma.local @!p0 [hbm:s6], $0xF7A  }
0x23: {  	s9 =	sor.u32 $0xD0000000, s2;
	s6 =	simm.s32 $0x108;
	_ =	swait.ge @!p0 [sflag:s8], $0x0  }
0x24: {  	s3 =	sadd.s32 $0x88, s3;
	s6 =	simm.s32 @!p1 $0x1082;
	[sflag:s4] =	ssyncset.s32 $0xFFFFF086  }
0x25: {  	[simem:s6], [sflag:s4] =	dma.local [hbm:s3], $0xF7A  }
0x26: {  	[smem:$0x3F9F] =	sst s1;
	(tag) =	ssettag s2;
	_ =	strace s9  }
0x27: {  	s1 =	sld [smem:$0x3FAF]  }
0x28: {  	s2 =	sld [smem:$0x3FB0]  }
0x29: {  	s4 =	sld [smem:$0x3FB2]  }
0x2a: {  	p0 =	seq.s32 s5, $0x0;
	s5 =	sld [smem:$0x3FB3]  }
0x2b: {  	s6 =	sld [smem:$0x3FB4]  }
0x2c: {  	s7 =	sld [smem:$0x3FB5]  }
0x2d: {  	s3 =	simm.s32 $0x108;
	s8 =	sld [smem:$0x3FB6]  }
0x2e: {  	s3 =	simm.s32 @!p0 $0x1082;
	s9 =	sld [smem:$0x3FB7]  }
0x2f: {  	lr =	sadd.s32 s0, s3;
	s0 =	sld [smem:$0x3FAE]  }
0x30: {  	s3 =	sld [smem:$0x3FB1]  }
0x31: {  	[smem:$0x3FBA] =	sst s10  }
0x32: {  	s10 =	sld [smem:$0x3FB8];
	_ =	sdelay $0x3  }
0x33: {  	p0 =	seq.s32 s10, $0x1;
	s10 =	sld [smem:$0x3FBA];
	_ =	sdelay $0x3  }
0x34: {  	[smem:$0x3FBA] =	sst s10  }
0x35: {  	s10 =	sld [smem:$0x3FB9];
	_ =	sdelay $0x3  }
0x36: {  	p1 =	seq.s32 s10, $0x1;
	s10 =	sld [smem:$0x3FBA];
	_ =	sdelay $0x3  }
0x37: {  	[smem:$0x3FBA] =	sst s10  }
0x38: {  	s10 =	sld [smem:$0x3FBB]  }
0x39: {  	_ = 	snop;
	(pc) =	sbr.ind lr, $3  }
0x3a: {  	_ = 	snop  }
0x3b: {  	_ = 	snop  }
0x3c: {  	p2 =	seq.s32 s10, $0x1;
	s10 =	sld [smem:$0x3FBA]  }
0x3d: {  	_ =	shalt  }
0x3e: {  	_ =	shalt  }
0x3f: {  	_ =	shalt  }
0x40: {  	_ =	shalt  }
0x41: {  	_ =	shalt  }
0x42: {  	_ =	shalt  }
0x43: {  	_ =	shalt  }
0x44: {  	_ =	shalt  }
0x45: {  	_ =	shalt  }
0x46: {  	_ =	shalt  }
0x47: {  	_ =	shalt  }
0x48: {  	_ =	shalt  }
0x49: {  	_ =	shalt  }
0x4a: {  	_ =	shalt  }
0x4b: {  	_ =	shalt  }
0x4c: {  	_ =	shalt  }
0x4d: {  	_ =	shalt  }
0x4e: {  	_ =	shalt  }
0x4f: {  	_ =	shalt  }
0x50: {  	_ =	shalt  }
0x51: {  	_ =	shalt  }
0x52: {  	_ =	shalt  }
0x53: {  	_ =	shalt  }
0x54: {  	_ =	shalt  }
0x55: {  	_ =	shalt  }
0x56: {  	_ =	shalt  }
0x57: {  	_ =	shalt  }
0x58: {  	_ =	shalt  }
0x59: {  	_ =	shalt  }
0x5a: {  	_ =	shalt  }
0x5b: {  	_ =	shalt  }
0x5c: {  	_ =	shalt  }
0x5d: {  	_ =	shalt  }
0x5e: {  	_ =	shalt  }
0x5f: {  	_ =	shalt  }
0x60: {  	_ =	shalt  }
0x61: {  	_ =	shalt  }
0x62: {  	_ =	shalt  }
0x63: {  	_ =	shalt  }
0x64: {  	_ =	shalt  }
0x65: {  	_ =	shalt  }
0x66: {  	_ =	shalt  }
0x67: {  	_ =	shalt  }
0x68: {  	_ =	shalt  }
0x69: {  	_ =	shalt  }
0x6a: {  	_ =	shalt  }
0x6b: {  	_ =	shalt  }
0x6c: {  	_ =	shalt  }
0x6d: {  	_ =	shalt  }
0x6e: {  	_ =	shalt  }
0x6f: {  	_ =	shalt  }
0x70: {  	_ =	shalt  }
0x71: {  	_ =	shalt  }
0x72: {  	_ =	shalt  }
0x73: {  	_ =	shalt  }
0x74: {  	_ =	shalt  }
0x75: {  	_ =	shalt  }
0x76: {  	_ =	shalt  }
0x77: {  	_ =	shalt  }
0x78: {  	_ =	shalt  }
0x79: {  	_ =	shalt  }
0x7a: {  	_ =	shalt  }
0x7b: {  	_ =	shalt  }
0x7c: {  	_ =	shalt  }
0x7d: {  	_ =	shalt  }
0x7e: {  	_ =	shalt  }
0x7f: {  	_ =	shalt  }
0x80: {  	_ =	shalt  }
0x81: {  	_ =	shalt  }
0x82: {  	_ =	shalt  }
0x83: {  	_ =	shalt  }
0x84: {  	_ =	shalt  }
0x85: {  	_ =	shalt  }
0x86: {  	_ =	shalt  }
0x87: {  	_ =	shalt  }
.Lfunc_end0:
.L_simem_size_0:
called_computation_lowered:
.L_overlay_start_0:
0x88: {  	s2 =	sld [smem:$0x3FD9]  }
0x89: {  	s3 =	sld [smem:$0x3FFE];
	_ =	sdelay $0x1  }
0x8a: {  	s1 =	srdreg.scid  }
0x8b: {  	s0 =	sand.u32 $0x1, s1  }
0x8c: {  	s17 =	sshll.u32 s0, $0xA;
	s2 =	sadd.s32 s3, s2  }
0x8d: {  	s2 =	sadd.s32 s2, s17  }
0x8e: {  	[smem:$0x3FC6] =	sst s2  }
0x8f: {  	_ = 	snop  }
0x90: {  	s2 =	sld [smem:$0x3FC8]  }
0x91: {  	s18 =	sld [smem:$0x3FD0];
	(tm) =	ssettm $0x1  }
0x92: {  	s4 =	sld [smem:$0x3FFB];
	_ =	sdelay $0x3  }
0x93: {  	_ =	strace s4  }
0x94: {  	s4 =	sld [smem:$0x3FFC];
	_ =	sdelay $0x3  }
0x95: {  	_ =	strace s4  }
0x96: {  	s4 =	sld [smem:$0x3FFD];
	_ =	sdelay $0x3  }
0x97: {  	_ =	strace s4  }
0x98: {  	_ =	strace $0x8FFFFFFF  }
0x99: {  	s19 =	sld [smem:$0x3FDB];
	_ =	sdelay $0x1  }
0x9a: {  	s5 =	simm.s32 $_scs_section_size  }
0x9b: {  	s6 =	simm.s32 $_size__tile_overlayer_lowered;
	s7 =	simm.s32 $_tile_overlayer_lowered  }
0x9c: {  	s22 =	simm.s32 $0x1BFF;
	s21 =	sshll.u32 s7, $0x1;
	s4 =	sadd.s32 s5, s19  }
0x9d: {  	s8 =	simm.s32 $0x0;
	s20 =	sshll.u32 s6, $0x1;
	s6 =	sadd.s32 s21, s4  }
0x9e: {  	[timem:s8], [sflag:s22] =	dma.local [hbm:s6], s20  }
0x9f: {  	_ =	swait.ge [sflag:s22], s20  }
0xa0: {  	s5 =	ssub.s32 $0x0, s20;
	[sflag:s22] =	ssyncset.done $0x0  }
0xa1: {  	[sflag:s22] =	ssyncadd.s32 s5;
	_ =	sdelay $0x1  }
0xa2: {  	s23 =	simm.s32 $0x1B8B  }
0xa3: {  	_ =	swait.ge [sflag:s23], $0x1  }
0xa4: {  	[sflag:s23] =	ssyncset.done $0x0  }
0xa5: {  	s25 =	simm.s32 $0x1B8E;
	s24 =	sld [smem:$0x3FFE];
	[sflag:s23] =	ssyncadd.s32 $0xFFFFFFFF  }
0xa6: {  	s26 =	simm.s32 $execute0_lowered;
	[smem:$0x3FD2] =	sst s25  }
0xa7: {  	s6 =	sshll.u32 s26, $0x1;
	_ =	strace $0x80000046;
	[dreg:$0x1] =	wrdreg $0xFFFFFFFF  }
0xa8: {  	s28 =	simm.s32 $_size_execute0_lowered;
	s4 =	sadd.s32 s4, s6;
	[dreg:$0x0] =	wrdreg $0x0  }
0xa9: {  	s6 =	sshll.u32 s28, $0x1;
	[dreg:$0x2] =	wrdreg s4  }
0xaa: {  	[dreg:$0x3] =	wrdreg s6  }
0xab: {  	[dreg:$0x4] =	wrdreg $0xC0  }
0xac: {  	_ =	task [dreg:s8], $0x5FFFF  }
0xad: {  	[dreg:$0x1] =	wrdreg $0xFFFFFFFF  }
0xae: {  	[dreg:$0x0] =	wrdreg $0x60  }
0xaf: {  	[dreg:$0x2] =	wrdreg s24  }
0xb0: {  	[dreg:$0x3] =	wrdreg s2  }
0xb1: {  	[dreg:$0x4] =	wrdreg s18  }
0xb2: {  	[dreg:$0x5] =	wrdreg $0x9  }
0xb3: {  	_ =	task.clear_ibuf [dreg:s8], $0x6FFFF;
	_ =	strace $0x90000046  }
0xb4: {  	s29 =	simm.s32 $0x9;
	_ =	strace $0x80000048  }
0xb5: {  	_ =	swait.ge [sflag:s29], $0x1  }
0xb6: {  	[sflag:s29] =	ssyncadd.s32 $0xFFFFFFFF  }
0xb7: {  	_ =	strace $0x90000048  }
0xb8: {  	_ =	sfence  }
0xb9: {  	s30 =	sld [smem:$0x0];
	_ =	sdelay $0x2  }
0xba: {  	s31 =	sshll.u32 s1, $0xD;
	s1 =	sshrl.u32 s1, $0x2  }
0xbb: {  	s3 =	sand.u32 $0x4000, s31;
	s1 =	sadd.s32 s1, s30  }
0xbc: {  	s0 =	sor.u32 s3, s0;
	s1 =	sshll.u32 s1, $0x11  }
0xbd: {  	s0 =	sor.u32 s1, s0  }
0xbe: {  	s0 =	sadd.s32 $0x8F2B, s0  }
0xbf: {  	[sflag:s0] =	ssyncadd.remote.s32 $0x1  }
0xc0: {  	_ =	sfence.sel $0xFFFF  }
0xc1: {  	[dreg:$0x0] =	wrdreg $0xFFFFFFFF;
	(pc) =	sbr.abs _section_cstart, $3  }
0xc2: {  	[dreg:$0x1] =	wrdreg $0xFFFFFFFF  }
0xc3: {  	_ =	task.clear_ibuf [dreg:s8], $0x2FFFF;
	_ =	strace $0x9FFFFFFF  }
0xc4: {  	(tm) =	ssettm $0x7FFFFFFF  }
0xc5: {  	_ =	shalt  }
tec
execute0_lowered:
.L_overlay_start_1:
0x0: {  	(tag) =	ssettag $0x1  }
0x1: {  	s0 =	rddreg [dreg:$0x0]  }
0x2: {  	s1 =	srdreg.scid;
	s2 =	rddreg [dreg:$0x1]  }
0x3: {  	s12 =	stileid.u32;
	s3 =	rddreg [dreg:$0x2]  }
0x4: {  	s18 =	simm.s32 $0x1;
	s19 =	simm.s32 $0x13D00;
	s8 =	smul.u32 $0x640000, s12  }
0x5: {  	s20 =	simm.s32 $0x2;
	s21 =	simm.s32 $0x17D00;
	s28 =	smul.u32 $0x64, s12  }
0x6: {  	s1 =	sand.u32 $0x1, s1;
	s4 =	sshll.u32 s12, $0x1;
	s12 =	smul.u32 $0x3200, s12  }
0x7: {  	s22 =	simm.s32 $0x3;
	s23 =	simm.s32 $0x4;
	s11 =	smul.u32 $0x320000, s1  }
0x8: {  	s24 =	simm.s32 $0x0;
	s5 =	sor.u32 s1, s4;
	s29 =	smul.u32 $0x32, s1  }
0x9: {  	s4 =	simm.s32 $0x0;
	s7 =	ssub.s32 $0x2, s1;
	s1 =	smul.u32 $0x1900, s1  }
0xa: {  	s6 =	smul.u32 $0x320, s5;
	[smem:$0x7FF] =	sst s4;
	s10 =	sshrl.u32 s7, $0x1  }
0xb: {  	s5 =	smul.u32 $0x32, s5;
	_ =	strace $0x80000047;
	s26 =	ssub.s32 s7, s10  }
0xc: {  	s11 =	sadd.s32 s11, s8;
	s10 =	sadd.s32 s29, s28;
	s9 =	sadd.s32 s6, s0  }
0xd: {  	s6 =	sadd.s32 $0x6800, s0;
	s8 =	smax.u32 s26, $0x1;
	s30 =	sor.u32 $0xFC0, s11  }
0xe: {  	s31 =	sshrl.u32 s11, $0x2;
	s13 =	sshll.u32 s10, $0x7;
	s10 =	sadd.s32 s1, s12  }
0xf: {  	s7 =	sadd.s32 $0x400, s9;
	s0 =	sshrl.u32 s30, $0x2;
	s11 =	sor.u32 $0x1900, s31  }
0x10: {  	s12 =	sor.u32 $0x80, s13;
	s13 =	simm.s32 $0x5;
	s9 =	sadd.s32 $0x1900, s0  }
.LBB2_1:
0x11: {  	[tilespmem:s4], [sflag:$0x5] =	stream.linear.gather [hbm4b:s7+s4], $0x1900, $0x38;
	[tilespmem:$0x1BD00] =	vst v63  }
0x12: {  	_ =	swait.ge [sflag:s13], $0x1900  }
0x13: {  	[sflag:s13] =	ssyncset.done $0x0  }
0x14: {  	s0 =	simm.s32 $0x1900;
	[sflag:s13] =	ssyncadd.s32 $0xFFFFE700  }
0x15: {  	[tilespmem:s0], [sflag:$0x5] =	stream.linear.gather [hbm4b:s6+s4], $0xA400, $0x38;
	[tilespmem:$0x1BD00] =	vst v63  }
0x16: {  	_ =	swait.ge [sflag:s13], $0xA400  }
0x17: {  	[sflag:s13] =	ssyncset.done $0x0  }
0x18: {  	s26 =	simm.s32 $0x80;
	s1 =	simm.s32 $0xBD00;
	[sflag:s13] =	ssyncadd.s32 $0xFFFF5C00  }
0x19: {  	[tilespmem:s1], [sflag:$0x1] =	stream.indirect.gather [hbm4b:s2+s26], $0x80, s4, s26, $0xb8;
	[tilespmem:$0x1BD00] =	vst v63  }
0x1a: {  	s31 =	simm.s32 $0xFD00;
	s25 =	smov.u32 s12;
	s28 =	smov.u32 s10  }
0x1b: {  	[tilespmem:s31], [sflag:$0x2] =	stream.indirect.gather [hbm4b:s2+s26], $0x80, s26, s26, $0xb8;
	[tilespmem:$0x1BD00] =	vst v63  }
0x1c: {  	s29 =	smov.u32 s9;
	s30 =	simm.s32 $0x0;
	s26 =	smov.u32 s11  }
.LBB2_2:
0x1d: {  	_ =	swait.ge [sflag:s18], $0x4000  }
0x1e: {  	p0 =	seq.s32 s30, $0x0;
	[sflag:s18] =	ssyncset.done $0x0  }
0x1f: {  	s1 =	simm.s32 @!p0 $0x3;
	[sflag:s18] =	ssyncadd.s32 $0xFFFFC000  }
0x20: {  	_ =	swait.ge @!p0 [sflag:s1], $0x4000  }
0x21: {  	[sflag:s1] =	ssyncset.done @!p0 $0x0  }
0x22: {  	s0 =	smulhi.u32 $0x51EB851F, s28;
	s15 =	simm.s32 $0xBF00;
	[sflag:s1] =	ssyncadd.s32 @!p0 $0xFFFFC000  }
0x23: {  	v0 =	vld [tilespmem:s15+$0x180]  }
0x24: {  	s0 =	sshrl.u32 s0, $0x6;
	v3 =	vld [tilespmem:s15+$0xFFFFFE80]  }
0x25: {  	s0 =	smul.u32 $0xFFFE7000, s0;
	v5 =	vld [tilespmem:s15+$0xFFFFFF00]  }
0x26: {  	v9 =	vld [tilespmem:s15+$0x0]  }
0x27: {  	s0 =	sshra.s32 s0, $0x2;
	v11 =	vld [tilespmem:s15+$0x80]  }
0x28: {  	s31 =	sadd.s32 s0, s29;
	v13 =	vld [tilespmem:s15+$0x100]  }
0x29: {  	v1 =	vld [tilespmem:s31+$0xFFFFFF90]  }
0x2a: {  	v2 =	vld [tilespmem:s31+$0xFFFFFC10]  }
0x2b: {  	v4 =	vld [tilespmem:s31+$0xFFFFFC90]  }
0x2c: {  	v6 =	vld [tilespmem:s31+$0xFFFFFD10]  }
0x2d: {  	v7 =	vld [tilespmem:s31+$0xFFFFFD90]  }
0x2e: {  	v10 =	vld [tilespmem:s31+$0xFFFFFE10];
	v0 =	vadd.f32 v1, v0  }
0x2f: {  	s0 =	simm.s32 $0x13F00;
	v1 =	vld [tilespmem:s15+$0xFFFFFF80]  }
0x30: {  	v3 =	vadd.f32 v4, v3;
	v4 =	vld [tilespmem:s15+$0xFFFFFE00];
	[tilespmem:s0+$0x180] =	vst v0  }
0x31: {  	v0 =	vld [tilespmem:s15+$0x190]  }
0x32: {  	v8 =	vld [tilespmem:s31+$0xFFFFFFA0]  }
0x33: {  	v12 =	vld [tilespmem:s31+$0xFFFFFE90];
	[tilespmem:s0+$0xFFFFFE80] =	vst v3;
	v3 =	vadd.f32 v6, v5  }
0x34: {  	v6 =	vld [tilespmem:s15+$0xFFFFFE90]  }
0x35: {  	[tilespmem:s0+$0xFFFFFF00] =	vst v3;
	v3 =	vld [tilespmem:s31+$0xFFFFFCA0];
	v1 =	vadd.f32 v7, v1  }
0x36: {  	v2 =	vadd.f32 v2, v4;
	v4 =	vld [tilespmem:s15+$0xFFFFFF10]  }
0x37: {  	[tilespmem:s0+$0xFFFFFF80] =	vst v1;
	v1 =	vld [tilespmem:s31+$0xFFFFFD20];
	v0 =	vadd.f32 v8, v0  }
0x38: {  	[tilespmem:s0+$0xFFFFFE00] =	vst v2;
	v2 =	vld [tilespmem:s15+$0xFFFFFF90]  }
0x39: {  	v32 =	vld [tilespmem:s31+$0xFFFFFDA0];
	[tilespmem:s0+$0x190] =	vst v0  }
0x3a: {  	v0 =	vld [tilespmem:s15+$0x1A0]  }
0x3b: {  	v3 =	vadd.f32 v3, v6;
	v5 =	vld [tilespmem:s31+$0xFFFFFFB0]  }
0x3c: {  	v8 =	vld [tilespmem:s31+$0xFFFFFF10]  }
0x3d: {  	v7 =	vld [tilespmem:s31+$0xFFFFFC20];
	[tilespmem:s0+$0xFFFFFE90] =	vst v3;
	v1 =	vadd.f32 v1, v4  }
0x3e: {  	v4 =	vld [tilespmem:s15+$0xFFFFFEA0]  }
0x3f: {  	[tilespmem:s0+$0xFFFFFF10] =	vst v1;
	v1 =	vadd.f32 v32, v2;
	v2 =	vld [tilespmem:s31+$0xFFFFFCB0]  }
0x40: {  	v0 =	vadd.f32 v5, v0;
	v5 =	vld [tilespmem:s15+$0xFFFFFE10]  }
0x41: {  	v36 =	vld [tilespmem:s15+$0xFFFFFF20];
	[tilespmem:s0+$0xFFFFFF90] =	vst v1  }
0x42: {  	v1 =	vld [tilespmem:s31+$0xFFFFFD30];
	[tilespmem:s0+$0x1A0] =	vst v0;
	v0 =	vadd.f32 v10, v9  }
0x43: {  	v37 =	vld [tilespmem:s15+$0xFFFFFFA0]  }
0x44: {  	v30 =	vld [tilespmem:s15+$0x1B0];
	[tilespmem:s0+$0x0] =	vst v0;
	v0 =	vadd.f32 v12, v11  }
0x45: {  	v31 =	vld [tilespmem:s31+$0xFFFFFFC0];
	v5 =	vadd.f32 v7, v5  }
0x46: {  	v33 =	vld [tilespmem:s15+$0x10];
	[tilespmem:s0+$0x80] =	vst v0;
	v0 =	vadd.f32 v8, v13  }
0x47: {  	v34 =	vld [tilespmem:s15+$0x90];
	[tilespmem:s0+$0xFFFFFE10] =	vst v5  }
0x48: {  	[tilespmem:s0+$0x100] =	vst v0;
	v0 =	vld [tilespmem:s31+$0xFFFFFEA0]  }
0x49: {  	v6 =	vld [tilespmem:s15+$0xFFFFFE20]  }
0x4a: {  	v9 =	vadd.f32 v31, v30;
	v3 =	vld [tilespmem:s31+$0xFFFFFC30]  }
0x4b: {  	v35 =	vld [tilespmem:s15+$0x110]  }
0x4c: {  	v7 =	vld [tilespmem:s31+$0xFFFFFF20];
	[tilespmem:s0+$0x1B0] =	vst v9  }
0x4d: {  	v2 =	vadd.f32 v2, v4;
	v9 =	vld [tilespmem:s15+$0x1C0]  }
0x4e: {  	v1 =	vadd.f32 v1, v36;
	v5 =	vld [tilespmem:s31+$0xFFFFFFD0]  }
0x4f: {  	[tilespmem:s0+$0xFFFFFEA0] =	vst v2;
	v8 =	vld [tilespmem:s31+$0xFFFFFE20];
	v0 =	vadd.f32 v0, v34  }
0x50: {  	v42 =	vld [tilespmem:s15+$0xFFFFFEB0];
	[tilespmem:s0+$0xFFFFFF20] =	vst v1;
	v3 =	vadd.f32 v3, v6  }
0x51: {  	v43 =	vld [tilespmem:s15+$0xFFFFFF30];
	[tilespmem:s0+$0x90] =	vst v0  }
0x52: {  	v0 =	vadd.f32 v7, v35;
	[tilespmem:s0+$0xFFFFFE20] =	vst v3;
	v40 =	vld [tilespmem:s15+$0xA0]  }
0x53: {  	v5 =	vadd.f32 v5, v9;
	v4 =	vld [tilespmem:s15+$0xFFFFFE30]  }
0x54: {  	[tilespmem:s0+$0x110] =	vst v0;
	v0 =	vld [tilespmem:s31+$0xFFFFFEB0]  }
0x55: {  	[tilespmem:s0+$0x1C0] =	vst v5;
	v41 =	vld [tilespmem:s15+$0x120]  }
0x56: {  	v5 =	vadd.f32 v8, v33;
	v8 =	vld [tilespmem:s15+$0x1D0]  }
0x57: {  	v38 =	vld [tilespmem:s31+$0xFFFFFFE0]  }
0x58: {  	[tilespmem:s0+$0x10] =	vst v5;
	v5 =	vld [tilespmem:s31+$0xFFFFFDB0]  }
0x59: {  	v6 =	vld [tilespmem:s31+$0xFFFFFF30]  }
0x5a: {  	v2 =	vld [tilespmem:s31+$0xFFFFFC40]  }
0x5b: {  	v39 =	vld [tilespmem:s15+$0x20];
	v0 =	vadd.f32 v0, v40  }
0x5c: {  	v7 =	vld [tilespmem:s31+$0xFFFFFE30];
	v8 =	vadd.f32 v38, v8  }
0x5d: {  	[tilespmem:s0+$0xA0] =	vst v0;
	v1 =	vadd.f32 v5, v37;
	v5 =	vld [tilespmem:s31+$0xFFFFFCC0]  }
0x5e: {  	v0 =	vadd.f32 v6, v41;
	v46 =	vld [tilespmem:s15+$0xB0];
	[tilespmem:s0+$0x1D0] =	vst v8  }
0x5f: {  	v8 =	vld [tilespmem:s15+$0x1E0]  }
0x60: {  	[tilespmem:s0+$0x120] =	vst v0;
	v3 =	vld [tilespmem:s31+$0xFFFFFFF0]  }
0x61: {  	v0 =	vadd.f32 v2, v4;
	[tilespmem:s0+$0xFFFFFFA0] =	vst v1;
	v1 =	vld [tilespmem:s31+$0xFFFFFD40]  }
0x62: {  	v2 =	vld [tilespmem:s31+$0xFFFFFEC0]  }
0x63: {  	v4 =	vld [tilespmem:s15+$0x130];
	[tilespmem:s0+$0xFFFFFE30] =	vst v0  }
0x64: {  	v47 =	vld [tilespmem:s15+$0xFFFFFE40];
	v0 =	vadd.f32 v5, v42  }
0x65: {  	v5 =	vld [tilespmem:s31+$0xFFFFFF40]  }
0x66: {  	v3 =	vadd.f32 v3, v8;
	[tilespmem:s0+$0xFFFFFEB0] =	vst v0;
	v0 =	vadd.f32 v1, v43;
	v1 =	vld [tilespmem:s31+$0xFFFFFC50]  }
0x67: {  	v8 =	vld [tilespmem:s15+$0xFFFFFFB0]  }
0x68: {  	v48 =	vld [tilespmem:s15+$0xFFFFFEC0];
	[tilespmem:s0+$0x1E0] =	vst v3;
	v3 =	vadd.f32 v7, v39  }
0x69: {  	v7 =	vld [tilespmem:s15+$0x1F0]  }
0x6a: {  	[tilespmem:s0+$0x20] =	vst v3;
	v3 =	vld [tilespmem:s31+$0xFFFFFDC0]  }
0x6b: {  	v45 =	vld [tilespmem:s15+$0x30];
	v1 =	vadd.f32 v1, v47  }
0x6c: {  	v6 =	vld [tilespmem:s31+$0xFFFFFE40]  }
0x6d: {  	v44 =	vld [tilespmem:s31+$0x0];
	[tilespmem:s0+$0xFFFFFE40] =	vst v1  }
0x6e: {  	v52 =	vld [tilespmem:s15+$0xFFFFFE50]  }
0x6f: {  	[tilespmem:s0+$0xFFFFFF30] =	vst v0;
	v0 =	vadd.f32 v3, v8;
	v3 =	vld [tilespmem:s31+$0xFFFFFCD0]  }
0x70: {  	v8 =	vld [tilespmem:s15+$0xFFFFFF40]  }
0x71: {  	[tilespmem:s0+$0xFFFFFFB0] =	vst v0;
	v0 =	vadd.f32 v6, v45;
	v6 =	vld [tilespmem:s31+$0xFFFFFD50]  }
0x72: {  	v49 =	vld [tilespmem:s15+$0xFFFFFFC0]  }
0x73: {  	[tilespmem:s0+$0x30] =	vst v0;
	v0 =	vadd.f32 v2, v46;
	v2 =	vld [tilespmem:s31+$0xFFFFFDD0]  }
0x74: {  	v50 =	vld [tilespmem:s15+$0x40]  }
0x75: {  	v1 =	vadd.f32 v3, v48;
	[tilespmem:s0+$0xB0] =	vst v0;
	v0 =	vadd.f32 v5, v4;
	v4 =	vld [tilespmem:s31+$0xFFFFFE50]  }
0x76: {  	v5 =	vld [tilespmem:s15+$0xC0]  }
0x77: {  	[tilespmem:s0+$0xFFFFFEC0] =	vst v1;
	v1 =	vadd.f32 v6, v8;
	v6 =	vld [tilespmem:s31+$0xFFFFFC60]  }
0x78: {  	[tilespmem:s0+$0x130] =	vst v0;
	v0 =	vld [tilespmem:s31+$0xFFFFFED0]  }
0x79: {  	v8 =	vld [tilespmem:s15+$0xFFFFFED0]  }
0x7a: {  	v51 =	vld [tilespmem:s15+$0x140]  }
0x7b: {  	v3 =	vld [tilespmem:s31+$0xFFFFFF50]  }
0x7c: {  	[tilespmem:s0+$0xFFFFFF40] =	vst v1;
	v1 =	vadd.f32 v2, v49;
	v2 =	vld [tilespmem:s31+$0xFFFFFCE0]  }
0x7d: {  	v53 =	vld [tilespmem:s15+$0xFFFFFF50]  }
0x7e: {  	[tilespmem:s0+$0xFFFFFFC0] =	vst v1;
	v1 =	vadd.f32 v4, v50;
	v4 =	vld [tilespmem:s31+$0xFFFFFD60]  }
0x7f: {  	v54 =	vld [tilespmem:s15+$0xFFFFFFD0];
	v6 =	vadd.f32 v6, v52  }
0x80: {  	[tilespmem:s0+$0x40] =	vst v1;
	v0 =	vadd.f32 v0, v5;
	v1 =	vld [tilespmem:s31+$0xFFFFFDE0]  }
0x81: {  	v5 =	vld [tilespmem:s15+$0x50];
	[tilespmem:s0+$0xFFFFFE50] =	vst v6  }
0x82: {  	[tilespmem:s0+$0xC0] =	vst v0;
	v0 =	vadd.f32 v3, v51;
	v3 =	vld [tilespmem:s31+$0xFFFFFE60]  }
0x83: {  	v2 =	vadd.f32 v2, v8;
	v8 =	vld [tilespmem:s15+$0xFFFFFE60]  }
0x84: {  	v55 =	vld [tilespmem:s15+$0xD0]  }
0x85: {  	[tilespmem:s0+$0xFFFFFED0] =	vst v2;
	v2 =	vadd.f32 v4, v53;
	v4 =	vld [tilespmem:s31+$0xFFFFFC70]  }
0x86: {  	[tilespmem:s0+$0x140] =	vst v0;
	v0 =	vld [tilespmem:s31+$0xFFFFFEE0]  }
0x87: {  	v57 =	vld [tilespmem:s15+$0xFFFFFEE0]  }
0x88: {  	v56 =	vld [tilespmem:s15+$0x150]  }
0x89: {  	v6 =	vld [tilespmem:s31+$0xFFFFFF60]  }
0x8a: {  	[tilespmem:s0+$0xFFFFFF50] =	vst v2;
	v1 =	vadd.f32 v1, v54;
	v2 =	vld [tilespmem:s31+$0xFFFFFCF0]  }
0x8b: {  	v58 =	vld [tilespmem:s15+$0xFFFFFF60]  }
0x8c: {  	[tilespmem:s0+$0xFFFFFFD0] =	vst v1;
	v1 =	vadd.f32 v3, v5;
	v3 =	vld [tilespmem:s31+$0xFFFFFD70]  }
0x8d: {  	v5 =	vld [tilespmem:s15+$0xFFFFFFE0];
	v4 =	vadd.f32 v4, v8  }
0x8e: {  	[tilespmem:s0+$0x50] =	vst v1;
	v0 =	vadd.f32 v0, v55;
	v1 =	vld [tilespmem:s31+$0xFFFFFDF0]  }
0x8f: {  	v59 =	vld [tilespmem:s15+$0x60];
	[tilespmem:s0+$0xFFFFFE60] =	vst v4  }
0x90: {  	[tilespmem:s0+$0xD0] =	vst v0;
	v0 =	vadd.f32 v6, v56;
	v6 =	vld [tilespmem:s31+$0xFFFFFE70]  }
0x91: {  	v2 =	vadd.f32 v2, v57;
	v61 =	vld [tilespmem:s15+$0xFFFFFE70]  }
0x92: {  	v60 =	vld [tilespmem:s15+$0xE0]  }
0x93: {  	[tilespmem:s0+$0xFFFFFEE0] =	vst v2;
	v2 =	vadd.f32 v3, v58;
	v3 =	vld [tilespmem:s31+$0xFFFFFC80]  }
0x94: {  	[tilespmem:s0+$0x150] =	vst v0;
	v0 =	vld [tilespmem:s31+$0xFFFFFEF0]  }
0x95: {  	v62 =	vld [tilespmem:s15+$0xFFFFFEF0]  }
0x96: {  	v8 =	vld [tilespmem:s15+$0x160]  }
0x97: {  	v4 =	vld [tilespmem:s31+$0xFFFFFF70]  }
0x98: {  	[tilespmem:s0+$0xFFFFFF60] =	vst v2;
	v1 =	vadd.f32 v1, v5;
	v5 =	vld [tilespmem:s31+$0xFFFFFD00]  }
0x99: {  	v14 =	vld [tilespmem:s15+$0xFFFFFF70]  }
0x9a: {  	[tilespmem:s0+$0xFFFFFFE0] =	vst v1;
	v1 =	vadd.f32 v6, v59;
	v6 =	vld [tilespmem:s31+$0xFFFFFD80]  }
0x9b: {  	s17 =	smulhi.u32 $0x51EB851F, s25;
	v2 =	vadd.f32 v44, v7;
	v7 =	vld [tilespmem:s15+$0xFFFFFFF0]  }
0x9c: {  	v63 =	vld [tilespmem:s31+$0xFFFFFE00];
	[tilespmem:s0+$0x60] =	vst v1;
	v1 =	vadd.f32 v0, v60  }
0x9d: {  	s1 =	sshrl.u32 s17, $0x6;
	[tilespmem:s0+$0x1F0] =	vst v2;
	v3 =	vadd.f32 v3, v61;
	v0 =	vld [tilespmem:s15+$0x70]  }
0x9e: {  	s1 =	smul.u32 $0xFFFE7000, s1;
	v4 =	vadd.f32 v4, v8;
	v2 =	vld [tilespmem:s31+$0xFFFFFE80];
	[tilespmem:s0+$0xE0] =	vst v1  }
0x9f: {  	[tilespmem:s0+$0xFFFFFE70] =	vst v3;
	v1 =	vld [tilespmem:s15+$0xF0];
	v6 =	vadd.f32 v6, v14  }
0xa0: {  	s1 =	sshra.s32 s1, $0x2;
	v5 =	vadd.f32 v5, v62;
	[tilespmem:s0+$0x160] =	vst v4;
	v4 =	vld [tilespmem:s31+$0xFFFFFF00]  }
0xa1: {  	s14 =	sadd.s32 s1, s26;
	s1 =	sshll.u32 s30, $0x1;
	v3 =	vld [tilespmem:s15+$0x170];
	[tilespmem:s0+$0xFFFFFF70] =	vst v6;
	v6 =	vadd.f32 v63, v7  }
0xa2: {  	s17 =	simm.s32 $0x0;
	s16 =	sadd.s32 s5, s1;
	[tilespmem:s0+$0xFFFFFEF0] =	vst v5;
	v5 =	vld [tilespmem:s31+$0xFFFFFF80];
	s15 =	simm.s32 $0xC300  }
.LBB2_3:
0xa3: {  	v7 =	vld [tilespmem:s15+$0x180];
	[tilespmem:s0+$0xFFFFFFF0] =	vst v6;
	v0 =	vadd.f32 v2, v0;
	s31 =	sadd.s32 $0x400, s31  }
0xa4: {  	v2 =	vld [tilespmem:s31+$0xFFFFFF90]  }
0xa5: {  	v6 =	vld [tilespmem:s31+$0xFFFFFC10];
	[tilespmem:s0+$0x70] =	vst v0;
	v0 =	vadd.f32 v4, v1  }
0xa6: {  	v1 =	vld [tilespmem:s15+$0xFFFFFE80]  }
0xa7: {  	v4 =	vld [tilespmem:s31+$0xFFFFFC90];
	[tilespmem:s0+$0xF0] =	vst v0;
	v0 =	vadd.f32 v5, v3  }
0xa8: {  	v3 =	vld [tilespmem:s15+$0xFFFFFF00]  }
0xa9: {  	v5 =	vld [tilespmem:s31+$0xFFFFFD10];
	v2 =	vadd.f32 v2, v7;
	[tilespmem:s0+$0x170] =	vst v0  }
0xaa: {  	s0 =	sadd.s32 $0x400, s0;
	v0 =	vld [tilespmem:s15+$0xFFFFFF80]  }
0xab: {  	s17 =	sadd.s32 $0x8, s17;
	v7 =	vld [tilespmem:s31+$0xFFFFFD90];
	[tilespmem:s0+$0x180] =	vst v2  }
0xac: {  	p1 =	slt.u32 s17, $0x78;
	v1 =	vadd.f32 v4, v1;
	v2 =	vld [tilespmem:s15+$0x190]  }
0xad: {  	v4 =	vld [tilespmem:s31+$0xFFFFFFA0]  }
0xae: {  	[tilespmem:s0+$0xFFFFFE80] =	vst v1;
	v1 =	vadd.f32 v5, v3;
	v3 =	vld [tilespmem:s15+$0x0]  }
0xaf: {  	v5 =	vld [tilespmem:s31+$0xFFFFFE10]  }
0xb0: {  	[tilespmem:s0+$0xFFFFFF00] =	vst v1;
	v0 =	vadd.f32 v7, v0;
	v1 =	vld [tilespmem:s15+$0x80]  }
0xb1: {  	v7 =	vld [tilespmem:s31+$0xFFFFFE90]  }
0xb2: {  	[tilespmem:s0+$0xFFFFFF80] =	vst v0;
	v0 =	vld [tilespmem:s15+$0x100];
	v2 =	vadd.f32 v4, v2  }
0xb3: {  	v4 =	vld [tilespmem:s31+$0xFFFFFF10]  }
0xb4: {  	v8 =	vld [tilespmem:s15+$0xFFFFFE00];
	v3 =	vadd.f32 v5, v3;
	[tilespmem:s0+$0x190] =	vst v2  }
0xb5: {  	v2 =	vld [tilespmem:s15+$0x1A0]  }
0xb6: {  	[tilespmem:s0+$0x0] =	vst v3;
	v1 =	vadd.f32 v7, v1;
	v3 =	vld [tilespmem:s31+$0xFFFFFFB0]  }
0xb7: {  	v5 =	vld [tilespmem:s15+$0xFFFFFE90]  }
0xb8: {  	v7 =	vld [tilespmem:s31+$0xFFFFFCA0];
	[tilespmem:s0+$0x80] =	vst v1;
	v0 =	vadd.f32 v4, v0  }
0xb9: {  	v1 =	vadd.f32 v6, v8;
	v4 =	vld [tilespmem:s15+$0xFFFFFF10]  }
0xba: {  	v6 =	vld [tilespmem:s31+$0xFFFFFD20];
	[tilespmem:s0+$0x100] =	vst v0  }
0xbb: {  	[tilespmem:s0+$0xFFFFFE00] =	vst v1;
	v0 =	vld [tilespmem:s15+$0xFFFFFF90];
	v1 =	vadd.f32 v3, v2  }
0xbc: {  	v2 =	vld [tilespmem:s15+$0xFFFFFE10]  }
0xbd: {  	v3 =	vld [tilespmem:s31+$0xFFFFFC20];
	v5 =	vadd.f32 v7, v5;
	[tilespmem:s0+$0x1A0] =	vst v1  }
0xbe: {  	v1 =	vld [tilespmem:s15+$0x1B0]  }
0xbf: {  	[tilespmem:s0+$0xFFFFFE90] =	vst v5;
	v4 =	vadd.f32 v6, v4;
	v5 =	vld [tilespmem:s31+$0xFFFFFFC0]  }
0xc0: {  	v6 =	vld [tilespmem:s31+$0xFFFFFDA0]  }
0xc1: {  	[tilespmem:s0+$0xFFFFFF10] =	vst v4;
	v4 =	vld [tilespmem:s15+$0x10]  }
0xc2: {  	v2 =	vadd.f32 v3, v2;
	v3 =	vld [tilespmem:s31+$0xFFFFFE20]  }
0xc3: {  	v7 =	vld [tilespmem:s15+$0x90]  }
0xc4: {  	[tilespmem:s0+$0xFFFFFE10] =	vst v2;
	v2 =	vld [tilespmem:s31+$0xFFFFFEA0];
	v1 =	vadd.f32 v5, v1  }
0xc5: {  	v0 =	vadd.f32 v6, v0;
	v5 =	vld [tilespmem:s15+$0x110]  }
0xc6: {  	v6 =	vld [tilespmem:s31+$0xFFFFFF20];
	[tilespmem:s0+$0x1B0] =	vst v1  }
0xc7: {  	[tilespmem:s0+$0xFFFFFF90] =	vst v0;
	v0 =	vadd.f32 v3, v4;
	v1 =	vld [tilespmem:s15+$0x1C0]  }
0xc8: {  	v3 =	vld [tilespmem:s31+$0xFFFFFFD0]  }
0xc9: {  	v4 =	vld [tilespmem:s15+$0xFFFFFE20];
	[tilespmem:s0+$0x10] =	vst v0;
	v0 =	vadd.f32 v2, v7  }
0xca: {  	v2 =	vld [tilespmem:s31+$0xFFFFFC30]  }
0xcb: {  	v7 =	vld [tilespmem:s15+$0xFFFFFEA0];
	[tilespmem:s0+$0x90] =	vst v0;
	v0 =	vadd.f32 v6, v5  }
0xcc: {  	v5 =	vld [tilespmem:s31+$0xFFFFFCB0]  }
0xcd: {  	v6 =	vld [tilespmem:s15+$0xFFFFFF20];
	[tilespmem:s0+$0x110] =	vst v0;
	v0 =	vadd.f32 v3, v1  }
0xce: {  	v1 =	vld [tilespmem:s31+$0xFFFFFD30]  }
0xcf: {  	v2 =	vadd.f32 v2, v4;
	v3 =	vld [tilespmem:s15+$0xFFFFFFA0];
	[tilespmem:s0+$0x1C0] =	vst v0  }
0xd0: {  	v0 =	vld [tilespmem:s15+$0x1D0]  }
0xd1: {  	[tilespmem:s0+$0xFFFFFE20] =	vst v2;
	v2 =	vadd.f32 v5, v7;
	v4 =	vld [tilespmem:s31+$0xFFFFFFE0]  }
0xd2: {  	v5 =	vld [tilespmem:s31+$0xFFFFFDB0]  }
0xd3: {  	[tilespmem:s0+$0xFFFFFEA0] =	vst v2;
	v1 =	vadd.f32 v1, v6;
	v2 =	vld [tilespmem:s15+$0x20]  }
0xd4: {  	v6 =	vld [tilespmem:s31+$0xFFFFFE30]  }
0xd5: {  	[tilespmem:s0+$0xFFFFFF20] =	vst v1;
	v1 =	vld [tilespmem:s15+$0xA0]  }
0xd6: {  	v7 =	vld [tilespmem:s31+$0xFFFFFEB0];
	v0 =	vadd.f32 v4, v0  }
0xd7: {  	v3 =	vadd.f32 v5, v3;
	v4 =	vld [tilespmem:s15+$0x120]  }
0xd8: {  	v5 =	vld [tilespmem:s31+$0xFFFFFF30];
	[tilespmem:s0+$0x1D0] =	vst v0  }
0xd9: {  	[tilespmem:s0+$0xFFFFFFA0] =	vst v3;
	v0 =	vadd.f32 v6, v2;
	v2 =	vld [tilespmem:s15+$0x1E0]  }
0xda: {  	v3 =	vld [tilespmem:s31+$0xFFFFFFF0]  }
0xdb: {  	v6 =	vld [tilespmem:s15+$0xFFFFFE30];
	[tilespmem:s0+$0x20] =	vst v0;
	v0 =	vadd.f32 v7, v1  }
0xdc: {  	v1 =	vld [tilespmem:s31+$0xFFFFFC40]  }
0xdd: {  	v7 =	vld [tilespmem:s15+$0xFFFFFEB0];
	[tilespmem:s0+$0xA0] =	vst v0;
	v0 =	vadd.f32 v5, v4  }
0xde: {  	v4 =	vld [tilespmem:s31+$0xFFFFFCC0]  }
0xdf: {  	v5 =	vld [tilespmem:s15+$0xFFFFFF30];
	[tilespmem:s0+$0x120] =	vst v0;
	v0 =	vadd.f32 v3, v2  }
0xe0: {  	v2 =	vld [tilespmem:s31+$0xFFFFFD40]  }
0xe1: {  	v1 =	vadd.f32 v1, v6;
	v3 =	vld [tilespmem:s15+$0xFFFFFFB0];
	[tilespmem:s0+$0x1E0] =	vst v0  }
0xe2: {  	v0 =	vld [tilespmem:s15+$0x1F0]  }
0xe3: {  	[tilespmem:s0+$0xFFFFFE30] =	vst v1;
	v1 =	vadd.f32 v4, v7;
	v4 =	vld [tilespmem:s31+$0x0]  }
0xe4: {  	v6 =	vld [tilespmem:s31+$0xFFFFFDC0]  }
0xe5: {  	[tilespmem:s0+$0xFFFFFEB0] =	vst v1;
	v1 =	vadd.f32 v2, v5;
	v2 =	vld [tilespmem:s15+$0x30]  }
0xe6: {  	v5 =	vld [tilespmem:s31+$0xFFFFFE40]  }
0xe7: {  	[tilespmem:s0+$0xFFFFFF30] =	vst v1;
	v1 =	vld [tilespmem:s15+$0xB0]  }
0xe8: {  	v7 =	vld [tilespmem:s31+$0xFFFFFEC0];
	v0 =	vadd.f32 v4, v0  }
0xe9: {  	v3 =	vadd.f32 v6, v3;
	v4 =	vld [tilespmem:s15+$0x130]  }
0xea: {  	v6 =	vld [tilespmem:s31+$0xFFFFFF40];
	[tilespmem:s0+$0x1F0] =	vst v0  }
0xeb: {  	v0 =	vld [tilespmem:s15+$0xFFFFFE40];
	[tilespmem:s0+$0xFFFFFFB0] =	vst v3;
	v2 =	vadd.f32 v5, v2  }
0xec: {  	v3 =	vld [tilespmem:s31+$0xFFFFFC50]  }
0xed: {  	v5 =	vld [tilespmem:s15+$0xFFFFFEC0];
	[tilespmem:s0+$0x30] =	vst v2;
	v1 =	vadd.f32 v7, v1  }
0xee: {  	v2 =	vld [tilespmem:s31+$0xFFFFFCD0]  }
0xef: {  	v7 =	vld [tilespmem:s15+$0xFFFFFF40];
	[tilespmem:s0+$0xB0] =	vst v1;
	v1 =	vadd.f32 v6, v4  }
0xf0: {  	v4 =	vld [tilespmem:s31+$0xFFFFFD50]  }
0xf1: {  	v0 =	vadd.f32 v3, v0;
	v3 =	vld [tilespmem:s15+$0xFFFFFFC0];
	[tilespmem:s0+$0x130] =	vst v1  }
0xf2: {  	v1 =	vld [tilespmem:s31+$0xFFFFFDD0]  }
0xf3: {  	[tilespmem:s0+$0xFFFFFE40] =	vst v0;
	v0 =	vadd.f32 v2, v5;
	v2 =	vld [tilespmem:s15+$0x40]  }
0xf4: {  	v5 =	vld [tilespmem:s31+$0xFFFFFE50]  }
0xf5: {  	[tilespmem:s0+$0xFFFFFEC0] =	vst v0;
	v0 =	vadd.f32 v4, v7;
	v4 =	vld [tilespmem:s15+$0xC0]  }
0xf6: {  	v6 =	vld [tilespmem:s31+$0xFFFFFED0]  }
0xf7: {  	[tilespmem:s0+$0xFFFFFF40] =	vst v0;
	v0 =	vadd.f32 v1, v3;
	v1 =	vld [tilespmem:s15+$0x140]  }
0xf8: {  	v3 =	vld [tilespmem:s31+$0xFFFFFF50]  }
0xf9: {  	v7 =	vld [tilespmem:s15+$0xFFFFFE50];
	[tilespmem:s0+$0xFFFFFFC0] =	vst v0;
	v0 =	vadd.f32 v5, v2  }
0xfa: {  	v2 =	vld [tilespmem:s31+$0xFFFFFC60]  }
0xfb: {  	v5 =	vld [tilespmem:s15+$0xFFFFFED0];
	[tilespmem:s0+$0x40] =	vst v0;
	v0 =	vadd.f32 v6, v4  }
0xfc: {  	v4 =	vld [tilespmem:s31+$0xFFFFFCE0]  }
0xfd: {  	v6 =	vld [tilespmem:s15+$0xFFFFFF50];
	[tilespmem:s0+$0xC0] =	vst v0;
	v0 =	vadd.f32 v3, v1  }
0xfe: {  	v1 =	vld [tilespmem:s31+$0xFFFFFD60]  }
0xff: {  	v2 =	vadd.f32 v2, v7;
	v3 =	vld [tilespmem:s15+$0xFFFFFFD0];
	[tilespmem:s0+$0x140] =	vst v0  }
0x100: {  	v0 =	vld [tilespmem:s31+$0xFFFFFDE0]  }
0x101: {  	[tilespmem:s0+$0xFFFFFE50] =	vst v2;
	v2 =	vadd.f32 v4, v5;
	v4 =	vld [tilespmem:s15+$0x50]  }
0x102: {  	v5 =	vld [tilespmem:s31+$0xFFFFFE60]  }
0x103: {  	[tilespmem:s0+$0xFFFFFED0] =	vst v2;
	v1 =	vadd.f32 v1, v6;
	v2 =	vld [tilespmem:s15+$0xD0]  }
0x104: {  	v6 =	vld [tilespmem:s31+$0xFFFFFEE0]  }
0x105: {  	[tilespmem:s0+$0xFFFFFF50] =	vst v1;
	v0 =	vadd.f32 v0, v3;
	v1 =	vld [tilespmem:s15+$0x150]  }
0x106: {  	v3 =	vld [tilespmem:s31+$0xFFFFFF60]  }
0x107: {  	v7 =	vld [tilespmem:s15+$0xFFFFFE60];
	[tilespmem:s0+$0xFFFFFFD0] =	vst v0;
	v0 =	vadd.f32 v5, v4  }
0x108: {  	v4 =	vld [tilespmem:s31+$0xFFFFFC70]  }
0x109: {  	v5 =	vld [tilespmem:s15+$0xFFFFFEE0];
	[tilespmem:s0+$0x50] =	vst v0;
	v0 =	vadd.f32 v6, v2  }
0x10a: {  	v2 =	vld [tilespmem:s31+$0xFFFFFCF0]  }
0x10b: {  	v6 =	vld [tilespmem:s15+$0xFFFFFF60];
	[tilespmem:s0+$0xD0] =	vst v0;
	v0 =	vadd.f32 v3, v1  }
0x10c: {  	v1 =	vld [tilespmem:s31+$0xFFFFFD70]  }
0x10d: {  	v3 =	vadd.f32 v4, v7;
	v4 =	vld [tilespmem:s15+$0xFFFFFFE0];
	[tilespmem:s0+$0x150] =	vst v0  }
0x10e: {  	v0 =	vld [tilespmem:s31+$0xFFFFFDF0]  }
0x10f: {  	[tilespmem:s0+$0xFFFFFE60] =	vst v3;
	v2 =	vadd.f32 v2, v5;
	v3 =	vld [tilespmem:s15+$0x60]  }
0x110: {  	v5 =	vld [tilespmem:s31+$0xFFFFFE70]  }
0x111: {  	[tilespmem:s0+$0xFFFFFEE0] =	vst v2;
	v1 =	vadd.f32 v1, v6;
	v2 =	vld [tilespmem:s15+$0xE0]  }
0x112: {  	v6 =	vld [tilespmem:s31+$0xFFFFFEF0]  }
0x113: {  	[tilespmem:s0+$0xFFFFFF60] =	vst v1;
	v0 =	vadd.f32 v0, v4;
	v1 =	vld [tilespmem:s15+$0x160]  }
0x114: {  	v4 =	vld [tilespmem:s31+$0xFFFFFF70]  }
0x115: {  	v7 =	vld [tilespmem:s15+$0xFFFFFE70];
	[tilespmem:s0+$0xFFFFFFE0] =	vst v0;
	v0 =	vadd.f32 v5, v3  }
0x116: {  	v3 =	vld [tilespmem:s31+$0xFFFFFC80]  }
0x117: {  	v5 =	vld [tilespmem:s15+$0xFFFFFEF0];
	[tilespmem:s0+$0x60] =	vst v0;
	v0 =	vadd.f32 v6, v2  }
0x118: {  	v2 =	vld [tilespmem:s31+$0xFFFFFD00]  }
0x119: {  	v6 =	vld [tilespmem:s15+$0xFFFFFF70];
	[tilespmem:s0+$0xE0] =	vst v0;
	v0 =	vadd.f32 v4, v1  }
0x11a: {  	v1 =	vld [tilespmem:s31+$0xFFFFFD80]  }
0x11b: {  	v3 =	vadd.f32 v3, v7;
	v7 =	vld [tilespmem:s15+$0xFFFFFFF0];
	[tilespmem:s0+$0x160] =	vst v0  }
0x11c: {  	v8 =	vld [tilespmem:s31+$0xFFFFFE00]  }
0x11d: {  	[tilespmem:s0+$0xFFFFFE70] =	vst v3;
	v3 =	vadd.f32 v2, v5;
	v0 =	vld [tilespmem:s15+$0x70]  }
.Ltmp0:
0x11e: {  	v2 =	vld [tilespmem:s31+$0xFFFFFE80];
	(pc) =	sbr.rel @p1 .LBB2_3-.Ltmp0, $4  }
0x11f: {  	[tilespmem:s0+$0xFFFFFEF0] =	vst v3;
	v3 =	vadd.f32 v1, v6;
	v1 =	vld [tilespmem:s15+$0xF0]  }
0x120: {  	v4 =	vld [tilespmem:s31+$0xFFFFFF00]  }
0x121: {  	[tilespmem:s0+$0xFFFFFF70] =	vst v3;
	v6 =	vadd.f32 v8, v7;
	v3 =	vld [tilespmem:s15+$0x170]  }
0x122: {  	s15 =	sadd.s32 $0x400, s15;
	v5 =	vld [tilespmem:s31+$0xFFFFFF80]  }
0x123: {  	_ =	sdelay $0x1  }
0x124: {  	v0 =	vadd.f32 v2, v0  }
0x125: {  	[tilespmem:s0+$0xFFFFFFF0] =	vst v6;
	p1 =	seq.s32 s30, $0x18;
	v1 =	vadd.f32 v4, v1  }
0x126: {  	s15 =	sshll.u32 @!p1 s30, $0x8;
	[tilespmem:s0+$0x70] =	vst v0;
	v0 =	vadd.f32 v5, v3  }
0x127: {  	s31 =	sand.u32 @!p1 $0x3FFFFF00, s15;
	[tilespmem:s0+$0xF0] =	vst v1  }
0x128: {  	s17 =	simm.s32 @!p1 $0xBD00;
	s15 =	simm.s32 @!p1 $0x80;
	[tilespmem:s0+$0x170] =	vst v0;
	s0 =	sadd.s32 @!p1 $0x100, s31  }
0x129: {  	[tilespmem:s17], [sflag:$0x1] =	stream.indirect.gather @!p1 [hbm4b:s2+s15], $0x80, s0, s15, $0xb8;
	[tilespmem:$0x1BD00] =	vst v63  }
0x12a: {  	s17 =	sshll.u32 s16, $0xB  }
0x12b: {  	s0 =	sadd.s32 s3, s17  }
0x12c: {  	[hbm4b:s0+s4] =	stream.linear.scatter [tilespmem:s19], [sflag:$0x3], $0x4000, $0x38;
	[tilespmem:$0x1BD00] =	vst v63  }
0x12d: {  	_ =	swait.ge [sflag:s20], $0x4000  }
0x12e: {  	v0 =	vmov s14;
	[sflag:s20] =	ssyncset.done $0x0  }
0x12f: {  	s0 =	simm.s32 @!p0 $0x4;
	[sflag:s20] =	ssyncadd.s32 $0xFFFFC000  }
0x130: {  	_ =	swait.ge @!p0 [sflag:s0], $0x4000  }
0x131: {  	[sflag:s0] =	ssyncset.done @!p0 $0x0  }
0x132: {  	[sflag:s0] =	ssyncadd.s32 @!p0 $0xFFFFC000;
	s0 =	simm.s32 $0x0  }
0x133: {  	v1 =	vld.idx.msk [tilespmem:v0+s0+$0x4380 ss:$0x1], $0xffff  }
0x134: {  	v2 =	vld [tilespmem:s0+$0x10080]  }
0x135: {  	v3 =	vld.idx.msk [tilespmem:v0+s0+$0x4000 ss:$0x1], $0xffff  }
0x136: {  	v4 =	vld.idx.msk [tilespmem:v0+s0+$0x4080 ss:$0x1], $0xffff  }
0x137: {  	v5 =	vld.idx.msk [tilespmem:v0+s0+$0x4100 ss:$0x1], $0xffff  }
0x138: {  	v6 =	vld.idx.msk [tilespmem:v0+s0+$0x4180 ss:$0x1], $0xffff  }
0x139: {  	v7 =	vld.idx.msk [tilespmem:v0+s0+$0x4200 ss:$0x1], $0xffff  }
0x13a: {  	v8 =	vld.idx.msk [tilespmem:v0+s0+$0x4300 ss:$0x1], $0xffff  }
0x13b: {  	v9 =	vld [tilespmem:s0+$0x10090]  }
0x13c: {  	v10 =	vld [tilespmem:s0+$0xFD00]  }
0x13d: {  	v11 =	vld [tilespmem:s0+$0xFD80]  }
0x13e: {  	v12 =	vld [tilespmem:s0+$0xFE00]  }
0x13f: {  	v13 =	vld [tilespmem:s0+$0xFE80]  }
0x140: {  	v14 =	vld [tilespmem:s0+$0xFF00]  }
0x141: {  	v44 =	vld [tilespmem:s0+$0xFE10]  }
0x142: {  	v45 =	vld [tilespmem:s0+$0xFE90]  }
0x143: {  	v46 =	vld [tilespmem:s0+$0xFF10]  }
0x144: {  	v47 =	vld [tilespmem:s0+$0xFE20]  }
0x145: {  	v48 =	vld [tilespmem:s0+$0xFEA0]  }
0x146: {  	v49 =	vld [tilespmem:s0+$0xFF20]  }
0x147: {  	v50 =	vld [tilespmem:s0+$0xFE30]  }
0x148: {  	v51 =	vld [tilespmem:s0+$0xFEB0]  }
0x149: {  	v52 =	vld [tilespmem:s0+$0xFF30]  }
0x14a: {  	v54 =	vld [tilespmem:s0+$0xFEC0]  }
0x14b: {  	v55 =	vld [tilespmem:s0+$0xFF40]  }
0x14c: {  	v56 =	vld [tilespmem:s0+$0xFFC0]  }
0x14d: {  	v57 =	vld [tilespmem:s0+$0xFE50]  }
0x14e: {  	v58 =	vld [tilespmem:s0+$0xFED0]  }
0x14f: {  	v59 =	vld [tilespmem:s0+$0xFFD0];
	v1 =	vadd.f32 v1, v2  }
0x150: {  	v60 =	vld [tilespmem:s0+$0xFD60]  }
0x151: {  	v61 =	vld [tilespmem:s0+$0xFEE0];
	[tilespmem:s0+$0x18080] =	vst v1  }
0x152: {  	v3 =	vadd.f32 v3, v10;
	v1 =	vld.idx.msk [tilespmem:v0+s0+$0x4390 ss:$0x1], $0xffff  }
0x153: {  	v62 =	vld [tilespmem:s0+$0xFF60]  }
0x154: {  	v10 =	vld [tilespmem:s0+$0x10000];
	[tilespmem:s0+$0x17D00] =	vst v3;
	v3 =	vadd.f32 v5, v12  }
0x155: {  	v63 =	vld [tilespmem:s0+$0xFFE0]  }
0x156: {  	v2 =	vld.idx.msk [tilespmem:v0+s0+$0x4280 ss:$0x1], $0xffff;
	[tilespmem:s0+$0x17E00] =	vst v3;
	v3 =	vadd.f32 v7, v14  }
0x157: {  	v5 =	vld [tilespmem:s0+$0x100A0];
	v1 =	vadd.f32 v1, v9  }
0x158: {  	[tilespmem:s0+$0x17F00] =	vst v3;
	v9 =	vld [tilespmem:s0+$0xFF80]  }
0x159: {  	v3 =	vadd.f32 v8, v10;
	v10 =	vld [tilespmem:s0+$0xFD10];
	[tilespmem:s0+$0x18090] =	vst v1;
	v1 =	vadd.f32 v4, v11  }
0x15a: {  	v4 =	vld.idx.msk [tilespmem:v0+s0+$0x43A0 ss:$0x1], $0xffff  }
0x15b: {  	v11 =	vld [tilespmem:s0+$0xFD90];
	[tilespmem:s0+$0x17D80] =	vst v1;
	v1 =	vadd.f32 v6, v13  }
0x15c: {  	v6 =	vld.idx.msk [tilespmem:v0+s0+$0x4010 ss:$0x1], $0xffff  }
0x15d: {  	v7 =	vld.idx.msk [tilespmem:v0+s0+$0x4090 ss:$0x1], $0xffff;
	[tilespmem:s0+$0x17E80] =	vst v1;
	v1 =	vadd.f32 v2, v9  }
0x15e: {  	[tilespmem:s0+$0x18000] =	vst v3;
	v9 =	vld [tilespmem:s0+$0x100B0]  }
0x15f: {  	[tilespmem:s0+$0x17F80] =	vst v1;
	v1 =	vld.idx.msk [tilespmem:v0+s0+$0x4210 ss:$0x1], $0xffff;
	v4 =	vadd.f32 v4, v5  }
0x160: {  	v5 =	vld.idx.msk [tilespmem:v0+s0+$0x4310 ss:$0x1], $0xffff  }
0x161: {  	v6 =	vadd.f32 v6, v10;
	v10 =	vld [tilespmem:s0+$0x10010];
	[tilespmem:s0+$0x180A0] =	vst v4  }
0x162: {  	v4 =	vld.idx.msk [tilespmem:v0+s0+$0x43B0 ss:$0x1], $0xffff  }
0x163: {  	v2 =	vld.idx.msk [tilespmem:v0+s0+$0x4110 ss:$0x1], $0xffff  }
0x164: {  	v8 =	vld.idx.msk [tilespmem:v0+s0+$0x4190 ss:$0x1], $0xffff  }
0x165: {  	v3 =	vld.idx.msk [tilespmem:v0+s0+$0x4290 ss:$0x1], $0xffff;
	v1 =	vadd.f32 v1, v46  }
0x166: {  	[tilespmem:s0+$0x17D10] =	vst v6;
	v6 =	vld [tilespmem:s0+$0x100C0]  }
0x167: {  	[tilespmem:s0+$0x17F10] =	vst v1;
	v1 =	vadd.f32 v5, v10;
	v10 =	vld [tilespmem:s0+$0xFD20];
	v4 =	vadd.f32 v4, v9  }
0x168: {  	v9 =	vld [tilespmem:s0+$0xFF90]  }
0x169: {  	[tilespmem:s0+$0x180B0] =	vst v4;
	v4 =	vadd.f32 v7, v11;
	v11 =	vld [tilespmem:s0+$0xFDA0]  }
0x16a: {  	v2 =	vadd.f32 v2, v44;
	v7 =	vld.idx.msk [tilespmem:v0+s0+$0x43C0 ss:$0x1], $0xffff  }
0x16b: {  	[tilespmem:s0+$0x17D90] =	vst v4;
	v4 =	vadd.f32 v8, v45;
	v8 =	vld.idx.msk [tilespmem:v0+s0+$0x4020 ss:$0x1], $0xffff  }
0x16c: {  	[tilespmem:s0+$0x17E10] =	vst v2;
	v2 =	vld.idx.msk [tilespmem:v0+s0+$0x40A0 ss:$0x1], $0xffff  }
0x16d: {  	v3 =	vadd.f32 v3, v9;
	v9 =	vld [tilespmem:s0+$0x100D0]  }
0x16e: {  	[tilespmem:s0+$0x17E90] =	vst v4;
	v4 =	vld.idx.msk [tilespmem:v0+s0+$0x4120 ss:$0x1], $0xffff  }
0x16f: {  	[tilespmem:s0+$0x18010] =	vst v1;
	v5 =	vld.idx.msk [tilespmem:v0+s0+$0x41A0 ss:$0x1], $0xffff  }
0x170: {  	[tilespmem:s0+$0x17F90] =	vst v3;
	v3 =	vld.idx.msk [tilespmem:v0+s0+$0x4220 ss:$0x1], $0xffff;
	v6 =	vadd.f32 v7, v6  }
0x171: {  	v7 =	vld.idx.msk [tilespmem:v0+s0+$0x4320 ss:$0x1], $0xffff  }
0x172: {  	v8 =	vadd.f32 v8, v10;
	v10 =	vld [tilespmem:s0+$0x10020];
	[tilespmem:s0+$0x180C0] =	vst v6;
	v2 =	vadd.f32 v2, v11  }
0x173: {  	v6 =	vld.idx.msk [tilespmem:v0+s0+$0x43D0 ss:$0x1], $0xffff;
	v4 =	vadd.f32 v4, v47  }
0x174: {  	v11 =	vld [tilespmem:s0+$0xFDB0];
	[tilespmem:s0+$0x17DA0] =	vst v2;
	v2 =	vadd.f32 v5, v48  }
0x175: {  	v3 =	vadd.f32 v3, v49;
	[tilespmem:s0+$0x17E20] =	vst v4;
	v4 =	vld.idx.msk [tilespmem:v0+s0+$0x40B0 ss:$0x1], $0xffff  }
0x176: {  	v1 =	vld.idx.msk [tilespmem:v0+s0+$0x42A0 ss:$0x1], $0xffff;
	[tilespmem:s0+$0x17EA0] =	vst v2  }
0x177: {  	[tilespmem:s0+$0x17F20] =	vst v3;
	v3 =	vadd.f32 v7, v10;
	v7 =	vld.idx.msk [tilespmem:v0+s0+$0x41B0 ss:$0x1], $0xffff  }
0x178: {  	v6 =	vadd.f32 v6, v9;
	v9 =	vld [tilespmem:s0+$0xFFA0]  }
0x179: {  	v15 =	vld [tilespmem:s0+$0xFD70];
	[tilespmem:s0+$0x17D20] =	vst v8  }
0x17a: {  	v8 =	vld [tilespmem:s0+$0x100E0];
	[tilespmem:s0+$0x180D0] =	vst v6;
	v4 =	vadd.f32 v4, v11  }
0x17b: {  	v6 =	vld.idx.msk [tilespmem:v0+s0+$0x43E0 ss:$0x1], $0xffff  }
0x17c: {  	v2 =	vld.idx.msk [tilespmem:v0+s0+$0x4130 ss:$0x1], $0xffff;
	[tilespmem:s0+$0x17DB0] =	vst v4;
	v4 =	vadd.f32 v7, v51  }
0x17d: {  	v5 =	vld.idx.msk [tilespmem:v0+s0+$0x4030 ss:$0x1], $0xffff;
	v1 =	vadd.f32 v1, v9  }
0x17e: {  	v11 =	vld [tilespmem:s0+$0x10030];
	[tilespmem:s0+$0x17EB0] =	vst v4  }
0x17f: {  	[tilespmem:s0+$0x17FA0] =	vst v1;
	v1 =	vld.idx.msk [tilespmem:v0+s0+$0x4230 ss:$0x1], $0xffff  }
0x180: {  	[tilespmem:s0+$0x18020] =	vst v3;
	v4 =	vld.idx.msk [tilespmem:v0+s0+$0x41C0 ss:$0x1], $0xffff;
	v6 =	vadd.f32 v6, v8  }
0x181: {  	v2 =	vadd.f32 v2, v50;
	v8 =	vld.idx.msk [tilespmem:v0+s0+$0x4330 ss:$0x1], $0xffff  }
0x182: {  	[tilespmem:s0+$0x180E0] =	vst v6;
	v6 =	vld [tilespmem:s0+$0xFD30]  }
0x183: {  	v10 =	vld [tilespmem:s0+$0x100F0];
	[tilespmem:s0+$0x17E30] =	vst v2  }
0x184: {  	v2 =	vld.idx.msk [tilespmem:v0+s0+$0x4140 ss:$0x1], $0xffff;
	v1 =	vadd.f32 v1, v52  }
0x185: {  	v3 =	vld.idx.msk [tilespmem:v0+s0+$0x42B0 ss:$0x1], $0xffff;
	v4 =	vadd.f32 v4, v54  }
0x186: {  	[tilespmem:s0+$0x17F30] =	vst v1;
	v1 =	vadd.f32 v8, v11;
	v11 =	vld [tilespmem:s0+$0xFE40]  }
0x187: {  	[tilespmem:s0+$0x17EC0] =	vst v4;
	v5 =	vadd.f32 v5, v6;
	v6 =	vld [tilespmem:s0+$0xFFB0]  }
0x188: {  	v4 =	vld.idx.msk [tilespmem:v0+s0+$0x41D0 ss:$0x1], $0xffff  }
0x189: {  	[tilespmem:s0+$0x17D30] =	vst v5;
	v5 =	vld [tilespmem:s0+$0xFD40]  }
0x18a: {  	v53 =	vld.idx.msk [tilespmem:v0+s0+$0x4040 ss:$0x1], $0xffff  }
0x18b: {  	v7 =	vld.idx.msk [tilespmem:v0+s0+$0x40C0 ss:$0x1], $0xffff  }
0x18c: {  	v8 =	vld [tilespmem:s0+$0xFDC0];
	[tilespmem:s0+$0x18030] =	vst v1  }
0x18d: {  	v1 =	vld.idx.msk [tilespmem:v0+s0+$0x4340 ss:$0x1], $0xffff;
	v3 =	vadd.f32 v3, v6  }
0x18e: {  	v2 =	vadd.f32 v2, v11;
	v11 =	vld [tilespmem:s0+$0xFD50];
	v4 =	vadd.f32 v4, v58  }
0x18f: {  	v6 =	vld.idx.msk [tilespmem:v0+s0+$0x4240 ss:$0x1], $0xffff;
	[tilespmem:s0+$0x17FB0] =	vst v3;
	v5 =	vadd.f32 v53, v5  }
0x190: {  	[tilespmem:s0+$0x17ED0] =	vst v4;
	v3 =	vld.idx.msk [tilespmem:v0+s0+$0x42C0 ss:$0x1], $0xffff  }
0x191: {  	[tilespmem:s0+$0x17D40] =	vst v5;
	v5 =	vadd.f32 v7, v8;
	v7 =	vld [tilespmem:s0+$0x10040]  }
0x192: {  	v4 =	vld.idx.msk [tilespmem:v0+s0+$0x41E0 ss:$0x1], $0xffff  }
0x193: {  	[tilespmem:s0+$0x17E40] =	vst v2;
	v8 =	vld.idx.msk [tilespmem:v0+s0+$0x4050 ss:$0x1], $0xffff  }
0x194: {  	v2 =	vadd.f32 v6, v55;
	v6 =	vld.idx.msk [tilespmem:v0+s0+$0x4150 ss:$0x1], $0xffff;
	[tilespmem:s0+$0x17DC0] =	vst v5  }
0x195: {  	v5 =	vld.idx.msk [tilespmem:v0+s0+$0x40D0 ss:$0x1], $0xffff  }
0x196: {  	[tilespmem:s0+$0x17F40] =	vst v2;
	v3 =	vadd.f32 v3, v56;
	v1 =	vadd.f32 v1, v7;
	v7 =	vld [tilespmem:s0+$0xFDD0]  }
0x197: {  	v2 =	vld.idx.msk [tilespmem:v0+s0+$0x4250 ss:$0x1], $0xffff  }
0x198: {  	[tilespmem:s0+$0x17FC0] =	vst v3;
	v8 =	vadd.f32 v8, v11;
	v11 =	vld [tilespmem:s0+$0xFF50]  }
0x199: {  	v3 =	vld.idx.msk [tilespmem:v0+s0+$0x42D0 ss:$0x1], $0xffff;
	[tilespmem:s0+$0x18040] =	vst v1  }
0x19a: {  	v6 =	vadd.f32 v6, v57;
	v1 =	vld.idx.msk [tilespmem:v0+s0+$0x4350 ss:$0x1], $0xffff  }
0x19b: {  	[tilespmem:s0+$0x17D50] =	vst v8;
	v5 =	vadd.f32 v5, v7;
	v7 =	vld [tilespmem:s0+$0x10050]  }
0x19c: {  	[tilespmem:s0+$0x17E50] =	vst v6;
	v8 =	vld.idx.msk [tilespmem:v0+s0+$0x4060 ss:$0x1], $0xffff  }
0x19d: {  	v6 =	vld.idx.msk [tilespmem:v0+s0+$0x4160 ss:$0x1], $0xffff;
	v2 =	vadd.f32 v2, v11  }
0x19e: {  	v3 =	vadd.f32 v3, v59;
	v11 =	vld [tilespmem:s0+$0xFE60];
	[tilespmem:s0+$0x17DD0] =	vst v5  }
0x19f: {  	v5 =	vld.idx.msk [tilespmem:v0+s0+$0x40E0 ss:$0x1], $0xffff;
	[tilespmem:s0+$0x17F50] =	vst v2  }
0x1a0: {  	[tilespmem:s0+$0x17FD0] =	vst v3;
	v2 =	vld.idx.msk [tilespmem:v0+s0+$0x4260 ss:$0x1], $0xffff;
	v1 =	vadd.f32 v1, v7  }
0x1a1: {  	v3 =	vld.idx.msk [tilespmem:v0+s0+$0x42E0 ss:$0x1], $0xffff;
	v8 =	vadd.f32 v8, v60  }
0x1a2: {  	[tilespmem:s0+$0x18050] =	vst v1;
	v1 =	vld [tilespmem:s0+$0xFDE0]  }
0x1a3: {  	v9 =	vld.idx.msk [tilespmem:v0+s0+$0x43F0 ss:$0x1], $0xffff;
	[tilespmem:s0+$0x17D60] =	vst v8  }
0x1a4: {  	v6 =	vadd.f32 v6, v11;
	v8 =	vld.idx.msk [tilespmem:v0+s0+$0x4070 ss:$0x1], $0xffff  }
0x1a5: {  	v4 =	vadd.f32 v4, v61;
	v11 =	vld [tilespmem:s0+$0xFDF0]  }
0x1a6: {  	v7 =	vld.idx.msk [tilespmem:v0+s0+$0x4360 ss:$0x1], $0xffff;
	[tilespmem:s0+$0x17E60] =	vst v6;
	v6 =	vadd.f32 v2, v62  }
0x1a7: {  	[tilespmem:s0+$0x17EE0] =	vst v4;
	v4 =	vadd.f32 v3, v63;
	v1 =	vadd.f32 v5, v1;
	v5 =	vld [tilespmem:s0+$0x10060]  }
0x1a8: {  	v2 =	vld.idx.msk [tilespmem:v0+s0+$0x4170 ss:$0x1], $0xffff;
	[tilespmem:s0+$0x17F60] =	vst v6  }
0x1a9: {  	v3 =	vld.idx.msk [tilespmem:v0+s0+$0x41F0 ss:$0x1], $0xffff;
	[tilespmem:s0+$0x17FE0] =	vst v4;
	v8 =	vadd.f32 v8, v15  }
0x1aa: {  	v6 =	vld.idx.msk [tilespmem:v0+s0+$0x42F0 ss:$0x1], $0xffff;
	[tilespmem:s0+$0x17DE0] =	vst v1  }
0x1ab: {  	[tilespmem:s0+$0x17D70] =	vst v8;
	v8 =	vld [tilespmem:s0+$0xFFF0]  }
0x1ac: {  	v1 =	vld.idx.msk [tilespmem:v0+s0+$0x40F0 ss:$0x1], $0xffff;
	v7 =	vadd.f32 v7, v5  }
0x1ad: {  	v5 =	vld.idx.msk [tilespmem:v0+s0+$0x4270 ss:$0x1], $0xffff  }
0x1ae: {  	[tilespmem:s0+$0x18060] =	vst v7;
	v7 =	vadd.f32 v9, v10;
	v10 =	vld [tilespmem:s0+$0xFE70]  }
0x1af: {  	v9 =	vld [tilespmem:s0+$0xFEF0]  }
0x1b0: {  	s1 =	sor.u32 $0x1, s1;
	[tilespmem:s0+$0x180F0] =	vst v7;
	v7 =	vld [tilespmem:s0+$0xFF70]  }
0x1b1: {  	s1 =	sadd.s32 s5, s1;
	s14 =	simm.s32 $0x0;
	s15 =	simm.s32 $0x1000;
	v4 =	vld.idx.msk [tilespmem:v0+s0+$0x4370 ss:$0x1], $0xffff  }
.LBB2_5:
0x1b2: {  	s16 =	sshra.s32 s15, $0x2;
	s14 =	sadd.s32 $0x8, s14;
	v1 =	vadd.f32 v1, v11;
	v11 =	vld [tilespmem:s0+$0x10070]  }
0x1b3: {  	v12 =	vld.idx.msk [tilespmem:v0+s16+$0x4380 ss:$0x1], $0xffff;
	p0 =	slt.u32 s14, $0x78;
	v2 =	vadd.f32 v2, v10  }
0x1b4: {  	v10 =	vld [tilespmem:s16+$0x10080];
	[tilespmem:s0+$0x17DF0] =	vst v1;
	v1 =	vadd.f32 v3, v9  }
0x1b5: {  	v3 =	vld.idx.msk [tilespmem:v0+s16+$0x4000 ss:$0x1], $0xffff;
	[tilespmem:s0+$0x17E70] =	vst v2;
	v2 =	vadd.f32 v5, v7  }
0x1b6: {  	v5 =	vld.idx.msk [tilespmem:v0+s16+$0x4080 ss:$0x1], $0xffff;
	[tilespmem:s0+$0x17EF0] =	vst v1;
	v1 =	vadd.f32 v6, v8  }
0x1b7: {  	v6 =	vld.idx.msk [tilespmem:v0+s16+$0x4100 ss:$0x1], $0xffff;
	[tilespmem:s0+$0x17F70] =	vst v2;
	v2 =	vadd.f32 v4, v11  }
0x1b8: {  	v4 =	vld.idx.msk [tilespmem:v0+s16+$0x4180 ss:$0x1], $0xffff;
	[tilespmem:s0+$0x17FF0] =	vst v1  }
0x1b9: {  	v1 =	vld.idx.msk [tilespmem:v0+s16+$0x4200 ss:$0x1], $0xffff;
	v7 =	vadd.f32 v12, v10;
	[tilespmem:s0+$0x18070] =	vst v2;
	s0 =	smov.u32 s16  }
0x1ba: {  	v2 =	vld.idx.msk [tilespmem:v0+s0+$0x4280 ss:$0x1], $0xffff  }
0x1bb: {  	v8 =	vld.idx.msk [tilespmem:v0+s0+$0x4300 ss:$0x1], $0xffff;
	[tilespmem:s0+$0x18080] =	vst v7  }
0x1bc: {  	v7 =	vld.idx.msk [tilespmem:v0+s0+$0x4390 ss:$0x1], $0xffff  }
0x1bd: {  	v9 =	vld [tilespmem:s0+$0x10090]  }
0x1be: {  	v10 =	vld [tilespmem:s0+$0xFD00]  }
0x1bf: {  	v11 =	vld [tilespmem:s0+$0xFD80]  }
0x1c0: {  	v12 =	vld [tilespmem:s0+$0xFE00]  }
0x1c1: {  	v13 =	vld [tilespmem:s0+$0xFE80]  }
0x1c2: {  	v14 =	vld [tilespmem:s0+$0xFF00];
	v7 =	vadd.f32 v7, v9  }
0x1c3: {  	v3 =	vadd.f32 v3, v10;
	v9 =	vld [tilespmem:s0+$0xFF80]  }
0x1c4: {  	v5 =	vadd.f32 v5, v11;
	v10 =	vld [tilespmem:s0+$0x10000];
	[tilespmem:s0+$0x18090] =	vst v7  }
0x1c5: {  	[tilespmem:s0+$0x17D00] =	vst v3;
	v3 =	vadd.f32 v6, v12;
	v6 =	vld.idx.msk [tilespmem:v0+s0+$0x43A0 ss:$0x1], $0xffff  }
0x1c6: {  	[tilespmem:s0+$0x17D80] =	vst v5;
	v4 =	vadd.f32 v4, v13;
	v5 =	vld [tilespmem:s0+$0x100A0]  }
0x1c7: {  	v7 =	vld.idx.msk [tilespmem:v0+s0+$0x4010 ss:$0x1], $0xffff;
	[tilespmem:s0+$0x17E00] =	vst v3;
	v1 =	vadd.f32 v1, v14  }
0x1c8: {  	v3 =	vld.idx.msk [tilespmem:v0+s0+$0x4090 ss:$0x1], $0xffff;
	[tilespmem:s0+$0x17E80] =	vst v4;
	v2 =	vadd.f32 v2, v9  }
0x1c9: {  	v4 =	vld.idx.msk [tilespmem:v0+s0+$0x4110 ss:$0x1], $0xffff;
	[tilespmem:s0+$0x17F00] =	vst v1;
	v1 =	vadd.f32 v8, v10  }
0x1ca: {  	v8 =	vld.idx.msk [tilespmem:v0+s0+$0x4190 ss:$0x1], $0xffff;
	[tilespmem:s0+$0x17F80] =	vst v2  }
0x1cb: {  	v2 =	vld.idx.msk [tilespmem:v0+s0+$0x4210 ss:$0x1], $0xffff;
	[tilespmem:s0+$0x18000] =	vst v1;
	v1 =	vadd.f32 v6, v5  }
0x1cc: {  	v5 =	vld.idx.msk [tilespmem:v0+s0+$0x4290 ss:$0x1], $0xffff  }
0x1cd: {  	v6 =	vld.idx.msk [tilespmem:v0+s0+$0x4310 ss:$0x1], $0xffff;
	[tilespmem:s0+$0x180A0] =	vst v1  }
0x1ce: {  	v1 =	vld.idx.msk [tilespmem:v0+s0+$0x43B0 ss:$0x1], $0xffff  }
0x1cf: {  	v9 =	vld [tilespmem:s0+$0x100B0]  }
0x1d0: {  	v10 =	vld [tilespmem:s0+$0xFD10]  }
0x1d1: {  	v11 =	vld [tilespmem:s0+$0xFD90]  }
0x1d2: {  	v12 =	vld [tilespmem:s0+$0xFE10]  }
0x1d3: {  	v13 =	vld [tilespmem:s0+$0xFE90]  }
0x1d4: {  	v14 =	vld [tilespmem:s0+$0xFF10];
	v1 =	vadd.f32 v1, v9  }
0x1d5: {  	v7 =	vadd.f32 v7, v10;
	v9 =	vld [tilespmem:s0+$0xFF90]  }
0x1d6: {  	v3 =	vadd.f32 v3, v11;
	v10 =	vld [tilespmem:s0+$0x10010];
	[tilespmem:s0+$0x180B0] =	vst v1  }
0x1d7: {  	[tilespmem:s0+$0x17D10] =	vst v7;
	v1 =	vadd.f32 v4, v12;
	v4 =	vld.idx.msk [tilespmem:v0+s0+$0x43C0 ss:$0x1], $0xffff  }
0x1d8: {  	[tilespmem:s0+$0x17D90] =	vst v3;
	v3 =	vadd.f32 v8, v13;
	v7 =	vld [tilespmem:s0+$0x100C0]  }
0x1d9: {  	v8 =	vld.idx.msk [tilespmem:v0+s0+$0x4020 ss:$0x1], $0xffff;
	[tilespmem:s0+$0x17E10] =	vst v1;
	v1 =	vadd.f32 v2, v14  }
0x1da: {  	v2 =	vld.idx.msk [tilespmem:v0+s0+$0x40A0 ss:$0x1], $0xffff;
	[tilespmem:s0+$0x17E90] =	vst v3;
	v3 =	vadd.f32 v5, v9  }
0x1db: {  	v5 =	vld.idx.msk [tilespmem:v0+s0+$0x4120 ss:$0x1], $0xffff;
	[tilespmem:s0+$0x17F10] =	vst v1;
	v1 =	vadd.f32 v6, v10  }
0x1dc: {  	v6 =	vld.idx.msk [tilespmem:v0+s0+$0x41A0 ss:$0x1], $0xffff;
	[tilespmem:s0+$0x17F90] =	vst v3  }
0x1dd: {  	v3 =	vld.idx.msk [tilespmem:v0+s0+$0x4220 ss:$0x1], $0xffff;
	[tilespmem:s0+$0x18010] =	vst v1;
	v1 =	vadd.f32 v4, v7  }
0x1de: {  	v4 =	vld.idx.msk [tilespmem:v0+s0+$0x42A0 ss:$0x1], $0xffff  }
0x1df: {  	v7 =	vld.idx.msk [tilespmem:v0+s0+$0x4320 ss:$0x1], $0xffff;
	[tilespmem:s0+$0x180C0] =	vst v1  }
0x1e0: {  	v1 =	vld.idx.msk [tilespmem:v0+s0+$0x43D0 ss:$0x1], $0xffff  }
0x1e1: {  	v9 =	vld [tilespmem:s0+$0x100D0]  }
0x1e2: {  	v10 =	vld [tilespmem:s0+$0xFD20]  }
0x1e3: {  	v11 =	vld [tilespmem:s0+$0xFDA0]  }
0x1e4: {  	v12 =	vld [tilespmem:s0+$0xFE20]  }
0x1e5: {  	v13 =	vld [tilespmem:s0+$0xFEA0]  }
0x1e6: {  	v14 =	vld [tilespmem:s0+$0xFF20];
	v1 =	vadd.f32 v1, v9  }
0x1e7: {  	v8 =	vadd.f32 v8, v10;
	v9 =	vld [tilespmem:s0+$0xFFA0]  }
0x1e8: {  	v2 =	vadd.f32 v2, v11;
	v10 =	vld [tilespmem:s0+$0x10020];
	[tilespmem:s0+$0x180D0] =	vst v1  }
0x1e9: {  	[tilespmem:s0+$0x17D20] =	vst v8;
	v1 =	vadd.f32 v5, v12;
	v5 =	vld.idx.msk [tilespmem:v0+s0+$0x43E0 ss:$0x1], $0xffff  }
0x1ea: {  	[tilespmem:s0+$0x17DA0] =	vst v2;
	v2 =	vadd.f32 v6, v13;
	v6 =	vld [tilespmem:s0+$0x100E0]  }
0x1eb: {  	v8 =	vld.idx.msk [tilespmem:v0+s0+$0x4030 ss:$0x1], $0xffff;
	[tilespmem:s0+$0x17E20] =	vst v1;
	v1 =	vadd.f32 v3, v14  }
0x1ec: {  	v3 =	vld.idx.msk [tilespmem:v0+s0+$0x40B0 ss:$0x1], $0xffff;
	[tilespmem:s0+$0x17EA0] =	vst v2;
	v2 =	vadd.f32 v4, v9  }
0x1ed: {  	v4 =	vld.idx.msk [tilespmem:v0+s0+$0x4130 ss:$0x1], $0xffff;
	[tilespmem:s0+$0x17F20] =	vst v1;
	v1 =	vadd.f32 v7, v10  }
0x1ee: {  	v7 =	vld.idx.msk [tilespmem:v0+s0+$0x41B0 ss:$0x1], $0xffff;
	[tilespmem:s0+$0x17FA0] =	vst v2  }
0x1ef: {  	v2 =	vld.idx.msk [tilespmem:v0+s0+$0x4230 ss:$0x1], $0xffff;
	[tilespmem:s0+$0x18020] =	vst v1;
	v1 =	vadd.f32 v5, v6  }
0x1f0: {  	v5 =	vld.idx.msk [tilespmem:v0+s0+$0x42B0 ss:$0x1], $0xffff  }
0x1f1: {  	v6 =	vld.idx.msk [tilespmem:v0+s0+$0x4330 ss:$0x1], $0xffff;
	[tilespmem:s0+$0x180E0] =	vst v1  }
0x1f2: {  	v1 =	vld.idx.msk [tilespmem:v0+s0+$0x43F0 ss:$0x1], $0xffff  }
0x1f3: {  	v9 =	vld [tilespmem:s0+$0x100F0]  }
0x1f4: {  	v10 =	vld [tilespmem:s0+$0xFD30]  }
0x1f5: {  	v11 =	vld [tilespmem:s0+$0xFDB0]  }
0x1f6: {  	v12 =	vld [tilespmem:s0+$0xFE30]  }
0x1f7: {  	v13 =	vld [tilespmem:s0+$0xFEB0]  }
0x1f8: {  	v14 =	vld [tilespmem:s0+$0xFF30];
	v1 =	vadd.f32 v1, v9  }
0x1f9: {  	v8 =	vadd.f32 v8, v10;
	v9 =	vld [tilespmem:s0+$0xFFB0]  }
0x1fa: {  	v3 =	vadd.f32 v3, v11;
	v10 =	vld [tilespmem:s0+$0x10030];
	[tilespmem:s0+$0x180F0] =	vst v1  }
0x1fb: {  	[tilespmem:s0+$0x17D30] =	vst v8;
	v1 =	vld [tilespmem:s0+$0xFD40];
	v4 =	vadd.f32 v4, v12  }
0x1fc: {  	v8 =	vld.idx.msk [tilespmem:v0+s0+$0x4040 ss:$0x1], $0xffff;
	[tilespmem:s0+$0x17DB0] =	vst v3;
	v3 =	vadd.f32 v7, v13  }
0x1fd: {  	v7 =	vld.idx.msk [tilespmem:v0+s0+$0x40C0 ss:$0x1], $0xffff;
	[tilespmem:s0+$0x17E30] =	vst v4;
	v2 =	vadd.f32 v2, v14  }
0x1fe: {  	v4 =	vld.idx.msk [tilespmem:v0+s0+$0x4140 ss:$0x1], $0xffff;
	[tilespmem:s0+$0x17EB0] =	vst v3;
	v3 =	vadd.f32 v5, v9  }
0x1ff: {  	v5 =	vld.idx.msk [tilespmem:v0+s0+$0x41C0 ss:$0x1], $0xffff;
	[tilespmem:s0+$0x17F30] =	vst v2;
	v2 =	vadd.f32 v6, v10  }
0x200: {  	v6 =	vld.idx.msk [tilespmem:v0+s0+$0x4240 ss:$0x1], $0xffff;
	[tilespmem:s0+$0x17FB0] =	vst v3  }
0x201: {  	v3 =	vld.idx.msk [tilespmem:v0+s0+$0x42C0 ss:$0x1], $0xffff;
	[tilespmem:s0+$0x18030] =	vst v2  }
0x202: {  	v1 =	vadd.f32 v8, v1;
	v2 =	vld.idx.msk [tilespmem:v0+s0+$0x4340 ss:$0x1], $0xffff  }
0x203: {  	v8 =	vld [tilespmem:s0+$0xFDC0]  }
0x204: {  	[tilespmem:s0+$0x17D40] =	vst v1;
	v1 =	vld [tilespmem:s0+$0xFE40]  }
0x205: {  	v9 =	vld [tilespmem:s0+$0xFEC0]  }
0x206: {  	v10 =	vld [tilespmem:s0+$0xFF40]  }
0x207: {  	v11 =	vld [tilespmem:s0+$0xFFC0]  }
0x208: {  	v7 =	vadd.f32 v7, v8;
	v8 =	vld [tilespmem:s0+$0x10040]  }
0x209: {  	v12 =	vld.idx.msk [tilespmem:v0+s0+$0x4050 ss:$0x1], $0xffff;
	v1 =	vadd.f32 v4, v1  }
0x20a: {  	v4 =	vld [tilespmem:s0+$0xFD50];
	[tilespmem:s0+$0x17DC0] =	vst v7;
	v5 =	vadd.f32 v5, v9  }
0x20b: {  	v7 =	vld.idx.msk [tilespmem:v0+s0+$0x40D0 ss:$0x1], $0xffff;
	[tilespmem:s0+$0x17E40] =	vst v1;
	v1 =	vadd.f32 v6, v10  }
0x20c: {  	v6 =	vld.idx.msk [tilespmem:v0+s0+$0x4150 ss:$0x1], $0xffff;
	[tilespmem:s0+$0x17EC0] =	vst v5;
	v3 =	vadd.f32 v3, v11  }
0x20d: {  	v5 =	vld.idx.msk [tilespmem:v0+s0+$0x41D0 ss:$0x1], $0xffff;
	[tilespmem:s0+$0x17F40] =	vst v1;
	v1 =	vadd.f32 v2, v8  }
0x20e: {  	v2 =	vld.idx.msk [tilespmem:v0+s0+$0x4250 ss:$0x1], $0xffff;
	[tilespmem:s0+$0x17FC0] =	vst v3  }
0x20f: {  	v3 =	vadd.f32 v12, v4;
	v4 =	vld.idx.msk [tilespmem:v0+s0+$0x42D0 ss:$0x1], $0xffff;
	[tilespmem:s0+$0x18040] =	vst v1  }
0x210: {  	v1 =	vld.idx.msk [tilespmem:v0+s0+$0x4350 ss:$0x1], $0xffff  }
0x211: {  	[tilespmem:s0+$0x17D50] =	vst v3;
	v3 =	vld [tilespmem:s0+$0xFDD0]  }
0x212: {  	v8 =	vld [tilespmem:s0+$0xFE50]  }
0x213: {  	v9 =	vld [tilespmem:s0+$0xFED0]  }
0x214: {  	v10 =	vld [tilespmem:s0+$0xFF50]  }
0x215: {  	v11 =	vld [tilespmem:s0+$0xFFD0]  }
0x216: {  	v3 =	vadd.f32 v7, v3;
	v7 =	vld [tilespmem:s0+$0x10050]  }
0x217: {  	v12 =	vld.idx.msk [tilespmem:v0+s0+$0x4060 ss:$0x1], $0xffff;
	v6 =	vadd.f32 v6, v8  }
0x218: {  	v8 =	vld [tilespmem:s0+$0xFD60];
	[tilespmem:s0+$0x17DD0] =	vst v3;
	v3 =	vadd.f32 v5, v9  }
0x219: {  	v5 =	vld.idx.msk [tilespmem:v0+s0+$0x40E0 ss:$0x1], $0xffff;
	[tilespmem:s0+$0x17E50] =	vst v6;
	v2 =	vadd.f32 v2, v10  }
0x21a: {  	v6 =	vld.idx.msk [tilespmem:v0+s0+$0x4160 ss:$0x1], $0xffff;
	[tilespmem:s0+$0x17ED0] =	vst v3;
	v3 =	vadd.f32 v4, v11  }
0x21b: {  	v4 =	vld.idx.msk [tilespmem:v0+s0+$0x41E0 ss:$0x1], $0xffff;
	[tilespmem:s0+$0x17F50] =	vst v2;
	v1 =	vadd.f32 v1, v7  }
0x21c: {  	v2 =	vld.idx.msk [tilespmem:v0+s0+$0x4260 ss:$0x1], $0xffff;
	[tilespmem:s0+$0x17FD0] =	vst v3  }
0x21d: {  	v3 =	vadd.f32 v12, v8;
	v7 =	vld.idx.msk [tilespmem:v0+s0+$0x42E0 ss:$0x1], $0xffff;
	[tilespmem:s0+$0x18050] =	vst v1  }
0x21e: {  	v8 =	vld.idx.msk [tilespmem:v0+s0+$0x4360 ss:$0x1], $0xffff  }
0x21f: {  	[tilespmem:s0+$0x17D60] =	vst v3;
	v1 =	vld [tilespmem:s0+$0xFDE0]  }
0x220: {  	v3 =	vld [tilespmem:s0+$0xFE60]  }
0x221: {  	v9 =	vld [tilespmem:s0+$0xFEE0]  }
0x222: {  	v10 =	vld [tilespmem:s0+$0xFF60]  }
0x223: {  	v11 =	vld [tilespmem:s0+$0xFFE0]  }
0x224: {  	v1 =	vadd.f32 v5, v1;
	v5 =	vld [tilespmem:s0+$0x10060]  }
0x225: {  	v12 =	vld.idx.msk [tilespmem:v0+s0+$0x4070 ss:$0x1], $0xffff;
	v3 =	vadd.f32 v6, v3  }
0x226: {  	v6 =	vld [tilespmem:s0+$0xFD70];
	[tilespmem:s0+$0x17DE0] =	vst v1;
	v4 =	vadd.f32 v4, v9  }
0x227: {  	v1 =	vld.idx.msk [tilespmem:v0+s0+$0x40F0 ss:$0x1], $0xffff;
	[tilespmem:s0+$0x17E60] =	vst v3;
	v9 =	vadd.f32 v2, v10  }
0x228: {  	v2 =	vld.idx.msk [tilespmem:v0+s0+$0x4170 ss:$0x1], $0xffff;
	[tilespmem:s0+$0x17EE0] =	vst v4;
	v4 =	vadd.f32 v7, v11  }
0x229: {  	v3 =	vld.idx.msk [tilespmem:v0+s0+$0x41F0 ss:$0x1], $0xffff;
	[tilespmem:s0+$0x17F60] =	vst v9;
	v7 =	vadd.f32 v8, v5  }
0x22a: {  	v5 =	vld.idx.msk [tilespmem:v0+s0+$0x4270 ss:$0x1], $0xffff;
	[tilespmem:s0+$0x17FE0] =	vst v4  }
0x22b: {  	v8 =	vadd.f32 v12, v6;
	v6 =	vld.idx.msk [tilespmem:v0+s0+$0x42F0 ss:$0x1], $0xffff;
	[tilespmem:s0+$0x18060] =	vst v7  }
0x22c: {  	v4 =	vld.idx.msk [tilespmem:v0+s0+$0x4370 ss:$0x1], $0xffff  }
.Ltmp1:
0x22d: {  	[tilespmem:s0+$0x17D70] =	vst v8;
	v11 =	vld [tilespmem:s0+$0xFDF0];
	(pc) =	sbr.rel @p0 .LBB2_5-.Ltmp1, $4  }
0x22e: {  	v10 =	vld [tilespmem:s0+$0xFE70]  }
0x22f: {  	v9 =	vld [tilespmem:s0+$0xFEF0]  }
0x230: {  	v7 =	vld [tilespmem:s0+$0xFF70]  }
0x231: {  	s15 =	sadd.s32 $0x1000, s15;
	v8 =	vld [tilespmem:s0+$0xFFF0]  }
0x232: {  	v0 =	vadd.f32 v1, v11;
	v60 =	vld [tilespmem:s0+$0x10070]  }
0x233: {  	v2 =	vadd.f32 v2, v10  }
0x234: {  	[tilespmem:s0+$0x17DF0] =	vst v0;
	v61 =	vadd.f32 v3, v9  }
0x235: {  	[tilespmem:s0+$0x17E70] =	vst v2;
	v62 =	vadd.f32 v5, v7  }
0x236: {  	[tilespmem:s0+$0x17EF0] =	vst v61;
	v63 =	vadd.f32 v6, v8  }
0x237: {  	s30 =	sadd.s32 $0x1, s30;
	[tilespmem:s0+$0x17F70] =	vst v62;
	v1 =	vadd.f32 v4, v60  }
0x238: {  	s14 =	simm.s32 @!p1 $0x80;
	s15 =	simm.s32 @!p1 $0xFD00;
	p0 =	sne.s32 s30, $0x19;
	[tilespmem:s0+$0x17FF0] =	vst v63  }
.Ltmp2:
0x239: {  	[tilespmem:s0+$0x18070] =	vst v1;
	s0 =	sadd.s32 @!p1 $0x180, s31;
	s31 =	sshll.u32 s1, $0xB;
	(pc) =	sbr.rel @p0 .LBB2_2-.Ltmp2, $4  }
0x23a: {  	[tilespmem:s15], [sflag:$0x2] =	stream.indirect.gather @!p1 [hbm4b:s2+s14], $0x80, s0, s14, $0xb8;
	[tilespmem:$0x1BD00] =	vst v63  }
0x23b: {  	s29 =	sadd.s32 $0x8000, s29;
	s28 =	sadd.s32 $0x100, s28;
	s0 =	sand.u32 $0x1FFFF800, s31  }
0x23c: {  	s26 =	sadd.s32 $0x8000, s26;
	s25 =	sadd.s32 $0x100, s25;
	s0 =	sadd.s32 s3, s0  }
0x23d: {  	[hbm4b:s0+s4] =	stream.linear.scatter [tilespmem:s21], [sflag:$0x4], $0x4000, $0x38;
	[tilespmem:$0x1BD00] =	vst v63  }
0x23e: {  	s24 =	sadd.s32 $0x1, s24  }
0x23f: {  	_ =	swait.ge [sflag:s22], $0x4000;
	p0 =	sne.s32 s24, s8  }
.Ltmp3:
0x240: {  	[sflag:s22] =	ssyncset.done $0x0;
	(pc) =	sbr.rel @p0 .LBB2_1-.Ltmp3, $4  }
0x241: {  	[sflag:s22] =	ssyncadd.s32 $0xFFFFC000  }
0x242: {  	_ =	swait.ge [sflag:s23], $0x4000  }
0x243: {  	[sflag:s23] =	ssyncset.done $0x0  }
0x244: {  	[sflag:s23] =	ssyncadd.s32 $0xFFFFC000  }
0x245: {  	_ =	sfence.sel $0x180000  }
0x246: {  	[bflag:$0x0] =	sbarrier.arrive $0xFFFF  }
0x247: {  	_ =	strace $0x90000047  }
0x248: {  	s0 =	stileid.u32;
	[bflag:$0x2] =	sbarrier.arrive $0xFFFF  }
0x249: {  	p0 =	sne.s32 s0, $0x0;
	s0 =	rddreg [dreg:$0x3]  }
0x24a: {  	s0 =	sadd.s32 @!p0 $0x100000, s0  }
0x24b: {  	[sflag:s0] =	ssyncadd.tile.s32 @!p0 $0x1;
	_ =	shalt  }
.Lfunc_end2:
_tile_overlayer_lowered:
.L_overlay_start_2:
0x24c: {  	(tag) =	ssettag $0x2  }
0x24d: {  	s0 =	rddreg [dreg:$0x0];
	s2 =	stileid.u32  }
0x24e: {  	s1 =	rddreg [dreg:$0x1];
	p0 =	sne.s32 s2, $0x0  }
0x24f: {  	s3 =	rddreg [dreg:$0x2];
	[bflag:$0x3] =	sbarrier.arrive $0xFFFF;
	s2 =	simm.s32 @!p0 $0x1C05  }
0x250: {  	[timem:s3], [sflag:s2] =	dma.local @!p0 [hbm:s0], s1  }
0x251: {  	s0 =	simm.s32 @!p0 $0x5  }
0x252: {  	_ =	swait.ge @!p0 [sflag:s0], s1  }
0x253: {  	s1 =	ssub.s32 @!p0 $0x0, s1;
	[sflag:s0] =	ssyncset.done @!p0 $0x0  }
0x254: {  	[sflag:s0] =	ssyncadd.s32 @!p0 s1  }
0x255: {  	[bflag:$0x3] =	sbarrier.arrive $0xFFFF  }
0x256: {  	_ =	shalt  }

</sc_bundles>
